<compile_context>
chip_gen: v7x
topology: tpu7x:2x2x1
jax: 0.10.2.dev20260603
libtpu: 0.0.44.dev20260713+nightly
codegen_flags: <defaults>
</compile_context>

<pallas_src>
import functools

import jax
import jax.numpy as jnp
from jax import lax
from jax.experimental import pallas as pl
from jax.experimental.pallas import tpu as pltpu
from jax.experimental.pallas import tpu_sc as plsc

N_CLEAR = 4096
N_RAIN = 8192
D = 512

BI = 2048
BJ = 2048
BM = 1024

_SC_CORES = 2
_SC_SUBCORES = 16
_SC_WORKERS = _SC_CORES * _SC_SUBCORES
_ROWS_PER_WORKER = N_CLEAR // _SC_WORKERS


_BIG = 2**30


_C = 128


def _argmin_body(x_ref, y_ref, idx_ref, vacc_ref, cacc_ref):
    j = pl.program_id(1)
    nj = pl.num_programs(1)

    @pl.when(j == 0)
    def _init():
        vacc_ref[...] = jnp.full((BI, _C), jnp.inf, jnp.float32)
        cacc_ref[...] = jnp.zeros((BI, _C), jnp.float32)

    x = x_ref[...]
    y = y_ref[...]
    xs = -2.0 * x
    x2 = jnp.sum(x * x, axis=1, keepdims=True)
    y2 = jnp.sum(y * y, axis=1)[None, :]

    lane = lax.broadcasted_iota(jnp.int32, (1, _C), 1)
    vacc = vacc_ref[...]
    cacc = cacc_ref[...]
    dot2 = lax.dot_general(xs, y, (((1,), (1,)), ((), ())),
                           preferred_element_type=jnp.float32)
    for c in range(BJ // _C):
        cs = slice(c * _C, (c + 1) * _C)
        sq = (x2 + y2[:, cs]) + dot2[:, cs]
        dc = jnp.sqrt(jnp.maximum(sq, 0.0))
        colf = (lane + (j * BJ + c * _C)).astype(jnp.float32)
        lt = dc < vacc
        vacc = jnp.minimum(dc, vacc)
        cacc = jnp.where(lt, colf, cacc)
    vacc_ref[...] = vacc
    cacc_ref[...] = cacc

    @pl.when(j == nj - 1)
    def _emit():
        mv = jnp.min(vacc, axis=1, keepdims=True)
        lidxf = jnp.min(jnp.where(vacc == mv, cacc, 3.0e38),
                        axis=1, keepdims=True)
        idx_ref[...] = lidxf.astype(jnp.int32)


def _nearest_idx(clear, rain):
    grid = (N_CLEAR // BI, N_RAIN // BJ)
    return pl.pallas_call(
        _argmin_body,
        grid=grid,
        in_specs=[
            pl.BlockSpec((BI, D), lambda i, j: (i, 0)),
            pl.BlockSpec((BJ, D), lambda i, j: (j, 0)),
        ],
        out_specs=pl.BlockSpec((BI, 1), lambda i, j: (i, 0)),
        out_shape=jax.ShapeDtypeStruct((N_CLEAR, 1), jnp.int32),
        scratch_shapes=[
            pltpu.VMEM((BI, _C), jnp.float32),
            pltpu.VMEM((BI, _C), jnp.float32),
        ],
    )(clear, rain)


@functools.partial(
    pl.kernel,
    mesh=plsc.VectorSubcoreMesh(core_axis_name="c", subcore_axis_name="s"),
    out_type=jax.ShapeDtypeStruct((N_CLEAR, D), jnp.float32),
    scratch_types=[
        pltpu.VMEM((_ROWS_PER_WORKER,), jnp.int32),
        pltpu.VMEM((_ROWS_PER_WORKER, D), jnp.float32),
        pltpu.SemaphoreType.DMA,
    ],
)
def _sc_gather(table_hbm, idx_hbm, out_hbm, idx_v, rows_v, sem):
    wid = lax.axis_index("s") * _SC_CORES + lax.axis_index("c")
    base = wid * _ROWS_PER_WORKER
    pltpu.sync_copy(idx_hbm.at[pl.ds(base, _ROWS_PER_WORKER)], idx_v)
    pltpu.async_copy(table_hbm.at[idx_v], rows_v, sem).wait()
    pltpu.sync_copy(rows_v, out_hbm.at[pl.ds(base, _ROWS_PER_WORKER)])


def _mlp_body(x_ref, a_ref, w1_ref, b1_ref, w2_ref, b2_ref, out_ref):
    x = x_ref[...]
    a = a_ref[...]
    comb = jnp.concatenate([x, a], axis=1)
    h = jax.nn.relu(lax.dot_general(comb, w1_ref[...],
                                    (((1,), (0,)), ((), ())),
                                    preferred_element_type=jnp.float32)
                    + b1_ref[...])
    s = lax.dot_general(h, w2_ref[...], (((1,), (0,)), ((), ())),
                        preferred_element_type=jnp.float32) + b2_ref[...]
    w = jax.nn.sigmoid(s)
    out_ref[...] = w * x + (1.0 - w) * a


def _mlp_fuse(clear, aligned, W1, b1, W2, b2):
    grid = (N_CLEAR // BM,)
    return pl.pallas_call(
        _mlp_body,
        grid=grid,
        in_specs=[
            pl.BlockSpec((BM, D), lambda i: (i, 0)),
            pl.BlockSpec((BM, D), lambda i: (i, 0)),
            pl.BlockSpec((2 * D, D), lambda i: (0, 0)),
            pl.BlockSpec((1, D), lambda i: (0, 0)),
            pl.BlockSpec((D, 1), lambda i: (0, 0)),
            pl.BlockSpec((1, 1), lambda i: (0, 0)),
        ],
        out_specs=pl.BlockSpec((BM, D), lambda i: (i, 0)),
        out_shape=jax.ShapeDtypeStruct((N_CLEAR, D), jnp.float32),
    )(clear, aligned, W1, b1.reshape(1, D), W2, b2.reshape(1, 1))


def kernel(clear_feature, rain_feature, W1, b1, W2, b2):
    idx = _nearest_idx(clear_feature, rain_feature).reshape(N_CLEAR)
    aligned = _sc_gather(rain_feature, idx)
    return _mlp_fuse(clear_feature, aligned, W1, b1, W2, b2)

# --- scband reference (transcript-rebuilt; emitter-appended) ---
"""Pipeline reference for scband-attention-fusion-17712445129136 (READ-ONLY COPY).

The authoritative reference and input builder live on the scoring server;
editing this copy changes nothing except your own understanding.
"""

import jax, jax.numpy as jnp
import numpy as np

FEATURE_DIM = 512
N_CLEAR = 4096
N_RAIN = 8192


def _cdist(x, y):
    # Euclidean distance matrix (matches torch.cdist p=2), matmul formulation.
    x2 = jnp.sum(x * x, axis=-1, keepdims=True)            # [N, 1]
    y2 = jnp.sum(y * y, axis=-1, keepdims=True).T          # [1, M]
    sq = x2 + y2 - 2.0 * (x @ y.T)
    return jnp.sqrt(jnp.maximum(sq, 0.0))


def setup_inputs(seed: int = 0) -> dict:
    key = jax.random.key(seed)
    k1, k2, k3, k4, k5, k6 = jax.random.split(key, 6)
    d = FEATURE_DIM
    clear_feature = jax.random.normal(k1, (N_CLEAR, d), dtype=jnp.float32)
    rain_feature = jax.random.normal(k2, (N_RAIN, d), dtype=jnp.float32)
    # attention_layer params: Linear(2d, d) -> ReLU -> Linear(d, 1) -> Sigmoid
    s1 = 1.0 / np.sqrt(2 * d)
    s2 = 1.0 / np.sqrt(d)
    W1 = jax.random.uniform(k3, (2 * d, d), dtype=jnp.float32, minval=-s1, maxval=s1)
    b1 = jax.random.uniform(k4, (d,), dtype=jnp.float32, minval=-s1, maxval=s1)
    W2 = jax.random.uniform(k5, (d, 1), dtype=jnp.float32, minval=-s2, maxval=s2)
    b2 = jax.random.uniform(k6, (1,), dtype=jnp.float32, minval=-s2, maxval=s2)
    return {"clear_feature": clear_feature, "rain_feature": rain_feature,
            "W1": W1, "b1": b1, "W2": W2, "b2": b2}


def reference(clear_feature, rain_feature, W1, b1, W2, b2):
    # align_features: shapes differ -> kNN (k=1) over Euclidean distances
    dist = _cdist(clear_feature, rain_feature)             # [N, M]
    _, idx = jax.lax.top_k(-dist, 1)                       # smallest distance
    idx = idx[:, 0]                                        # [N]
    aligned_rain = jnp.take(rain_feature, idx, axis=0)     # gather [N, d]
    combined = jnp.concatenate([clear_feature, aligned_rain], axis=-1)  # [N, 2d]
    h = jax.nn.relu(combined @ W1 + b1)
    attention_weights = jax.nn.sigmoid(h @ W2 + b2)        # [N, 1]
    fused = attention_weights * clear_feature + (1.0 - attention_weights) * aligned_rain
    return fused

if __name__ == "__main__":
    import jax
    _d = setup_inputs()
    print(jax.jit(kernel)(*tuple(_d.values())))

</pallas_src>

<mosaic_0001>
#map = affine_map<(d0, d1) -> (0, 0)>
#map1 = affine_map<(d0, d1) -> (0)>
module attributes {stable_mosaic.version = 14 : i64} {
  func.func @_sc_gather(%arg0: i32, %arg1: i32, %arg2: memref<8192x512xf32, #tpu.memory_space<hbm>>, %arg3: memref<4096xi32, #tpu.memory_space<hbm>>, %arg4: memref<4096x512xf32, #tpu.memory_space<hbm>>, %arg5: memref<128xi32, #tpu.memory_space<vmem>>, %arg6: memref<128x512xf32, #tpu.memory_space<vmem>>, %arg7: memref<!tpu.dma_semaphore, #tpu.memory_space<semaphore_mem>>) attributes {dimension_semantics = [#tpu.dimension_semantics<core_parallel>, #tpu.dimension_semantics<subcore_parallel>], iteration_bounds = array<i64: 2, 16>, scalar_prefetch = 0 : i64, scratch_operands = 3 : i64, tpu.core_type = #tpu.core_type<sc_vector_subcore>, window_params = [{transform_indices = #map}, {transform_indices = #map1}, {transform_indices = #map}]} {
    %mul3A = arith.constant 2 : i32
    %mul3A_0 = arith.muli %arg1, %mul3A : i32
    %add3A = arith.addi %mul3A_0, %arg0 : i32
    %mul3A_1 = arith.constant 128 : i32
    %mul3A_2 = arith.muli %add3A, %mul3A_1 : i32
    "tpu.region"() ({
      %run_scoped3A = tpu.sem_alloc : memref<!tpu.dma_semaphore, #tpu.memory_space<semaphore_mem>>
      %dma_start3A_7 = tpu.memref_slice %arg3[%mul3A_2] : memref<4096xi32, #tpu.memory_space<hbm>> -> memref<128xi32, #tpu.memory_space<hbm>>
      %dma_start3A_8 = tpu.memref_slice %arg3[%mul3A_2] : memref<4096xi32, #tpu.memory_space<hbm>> -> memref<128xi32, #tpu.memory_space<hbm>>
      tpu.enqueue_dma source(%dma_start3A_8 : memref<128xi32, #tpu.memory_space<hbm>>) target(%arg5 : memref<128xi32, #tpu.memory_space<vmem>>) target_semaphore(%run_scoped3A : memref<!tpu.dma_semaphore, #tpu.memory_space<semaphore_mem>>)
      %dma_wait3A_9 = tpu.memref_slice %arg3[%mul3A_2] : memref<4096xi32, #tpu.memory_space<hbm>> -> memref<128xi32, #tpu.memory_space<hbm>>
      %dma_wait3A_10 = tpu.memref_slice %arg3[%mul3A_2] : memref<4096xi32, #tpu.memory_space<hbm>> -> memref<128xi32, #tpu.memory_space<hbm>>
      tpu.wait_dma2 semaphore(%run_scoped3A : memref<!tpu.dma_semaphore, #tpu.memory_space<semaphore_mem>>) src(%dma_wait3A_10 : memref<128xi32, #tpu.memory_space<hbm>>) dst(%arg5 : memref<128xi32, #tpu.memory_space<vmem>>)
      tpu.yield
    }) : () -> ()
    %dma_start3A = arith.constant 0 : i32
    %dma_start3A_3 = arith.constant 0 : i32
    %dma_start3A_4 = tpu.memref_slice %arg2[%dma_start3A, %dma_start3A_3] : memref<8192x512xf32, #tpu.memory_space<hbm>> -> memref<8192x512xf32, #tpu.memory_space<hbm>>
    tpu.enqueue_indirect_dma source(%dma_start3A_4 : memref<8192x512xf32, #tpu.memory_space<hbm>>) target(%arg6 : memref<128x512xf32, #tpu.memory_space<vmem>>) offsets(%arg5 : memref<128xi32, #tpu.memory_space<vmem>>) semaphore(%arg7 : memref<!tpu.dma_semaphore, #tpu.memory_space<semaphore_mem>>)
    %dma_wait3A = arith.constant 0 : i32
    %dma_wait3A_5 = arith.constant 0 : i32
    %dma_wait3A_6 = tpu.memref_slice %arg2[%dma_wait3A, %dma_wait3A_5] : memref<8192x512xf32, #tpu.memory_space<hbm>> -> memref<8192x512xf32, #tpu.memory_space<hbm>>
    tpu.wait_indirect_dma semaphore(%arg7 : memref<!tpu.dma_semaphore, #tpu.memory_space<semaphore_mem>>) src(%dma_wait3A_6 : memref<8192x512xf32, #tpu.memory_space<hbm>>) dst(%arg6 : memref<128x512xf32, #tpu.memory_space<vmem>>)
    "tpu.region"() ({
      %run_scoped3A = tpu.sem_alloc : memref<!tpu.dma_semaphore, #tpu.memory_space<semaphore_mem>>
      %dma_start3A_7 = arith.constant 0 : i32
      %dma_start3A_8 = tpu.memref_slice %arg4[%mul3A_2, %dma_start3A_7] : memref<4096x512xf32, #tpu.memory_space<hbm>> -> memref<128x512xf32, #tpu.memory_space<hbm>>
      %dma_start3A_9 = arith.constant 0 : i32
      %dma_start3A_10 = tpu.memref_slice %arg4[%mul3A_2, %dma_start3A_9] : memref<4096x512xf32, #tpu.memory_space<hbm>> -> memref<128x512xf32, #tpu.memory_space<hbm>>
      tpu.enqueue_dma source(%arg6 : memref<128x512xf32, #tpu.memory_space<vmem>>) target(%dma_start3A_10 : memref<128x512xf32, #tpu.memory_space<hbm>>) target_semaphore(%run_scoped3A : memref<!tpu.dma_semaphore, #tpu.memory_space<semaphore_mem>>)
      %dma_wait3A_11 = arith.constant 0 : i32
      %dma_wait3A_12 = tpu.memref_slice %arg4[%mul3A_2, %dma_wait3A_11] : memref<4096x512xf32, #tpu.memory_space<hbm>> -> memref<128x512xf32, #tpu.memory_space<hbm>>
      %dma_wait3A_13 = arith.constant 0 : i32
      %dma_wait3A_14 = tpu.memref_slice %arg4[%mul3A_2, %dma_wait3A_13] : memref<4096x512xf32, #tpu.memory_space<hbm>> -> memref<128x512xf32, #tpu.memory_space<hbm>>
      tpu.wait_dma2 semaphore(%run_scoped3A : memref<!tpu.dma_semaphore, #tpu.memory_space<semaphore_mem>>) src(%arg6 : memref<128x512xf32, #tpu.memory_space<vmem>>) dst(%dma_wait3A_14 : memref<128x512xf32, #tpu.memory_space<hbm>>)
      tpu.yield
    }) : () -> ()
    return
  }
}

module attributes {stable_mosaic.version = 14 : i64} {
  func.func @_argmin_body(%arg0: i32, %arg1: i32, %arg2: memref<2048x512xf32, #tpu.memory_space<vmem>>, %arg3: memref<2048x512xf32, #tpu.memory_space<vmem>>, %arg4: memref<2048x1xi32, #tpu.memory_space<vmem>>, %arg5: memref<2048x128xf32, #tpu.memory_space<vmem>>, %arg6: memref<2048x128xf32, #tpu.memory_space<vmem>>) attributes {dimension_semantics = [#tpu.dimension_semantics<arbitrary>, #tpu.dimension_semantics<arbitrary>], iteration_bounds = array<i64: 2, 4>, scalar_prefetch = 0 : i64, scratch_operands = 2 : i64, tpu.core_type = #tpu.core_type<tc>, window_params = [{transform_indices = @transform_0, window_bounds = array<i64: 2048, 512>}, {transform_indices = @transform_1, window_bounds = array<i64: 2048, 512>}, {transform_indices = @transform_2, window_bounds = array<i64: 2048, 1>}]} {
    %eq3A = arith.constant 0 : i32
    %eq3A_0 = arith.cmpi eq, %arg1, %eq3A : i32
    %convert_element_type3A = arith.extui %eq3A_0 : i1 to i32
    %cond3A = arith.constant 0 : i32
    %cond3A_1 = arith.cmpi ne, %convert_element_type3A, %cond3A : i32
    scf.if %cond3A_1 {
      %broadcast_in_dim3A_377 = arith.constant 0x7F800000 : f32
      %broadcast_in_dim3A_378 = vector.broadcast %broadcast_in_dim3A_377 : f32 to vector<2048x128xf32>
      %swap3A_379 = arith.constant 0 : index
      %swap3A_380 = arith.constant 0 : index
      %swap3A_381 = vector.load %arg5[%swap3A_379, %swap3A_380] : memref<2048x128xf32, #tpu.memory_space<vmem>>, vector<2048x128xf32>
      tpu.vector_store %arg5[%swap3A_379, %swap3A_380], %broadcast_in_dim3A_378 {strides = array<i32>} : memref<2048x128xf32, #tpu.memory_space<vmem>>, vector<2048x128xf32>,
      %broadcast_in_dim3A_382 = arith.constant 0.000000e+00 : f32
      %broadcast_in_dim3A_383 = vector.broadcast %broadcast_in_dim3A_382 : f32 to vector<2048x128xf32>
      %swap3A_384 = arith.constant 0 : index
      %swap3A_385 = arith.constant 0 : index
      %swap3A_386 = vector.load %arg6[%swap3A_384, %swap3A_385] : memref<2048x128xf32, #tpu.memory_space<vmem>>, vector<2048x128xf32>
      tpu.vector_store %arg6[%swap3A_384, %swap3A_385], %broadcast_in_dim3A_383 {strides = array<i32>} : memref<2048x128xf32, #tpu.memory_space<vmem>>, vector<2048x128xf32>,
    } else {
    }
    %get3A = arith.constant 0 : index
    %get3A_2 = arith.constant 0 : index
    %get3A_3 = vector.load %arg2[%get3A, %get3A_2] : memref<2048x512xf32, #tpu.memory_space<vmem>>, vector<2048x512xf32>
    %get3A_4 = arith.constant 0 : index
    %get3A_5 = arith.constant 0 : index
    %get3A_6 = vector.load %arg3[%get3A_4, %get3A_5] : memref<2048x512xf32, #tpu.memory_space<vmem>>, vector<2048x512xf32>
    %mul3A = arith.constant -2.000000e+00 : f32
    %mul3A_7 = vector.broadcast %mul3A : f32 to vector<2048x512xf32>
    %mul3A_8 = arith.mulf %mul3A_7, %get3A_3 : vector<2048x512xf32>
    %mul3A_9 = arith.mulf %get3A_3, %get3A_3 : vector<2048x512xf32>
    %reduce_sum3A = arith.constant dense<0.000000e+00> : vector<2048xf32>
    %reduce_sum3A_10 = vector.multi_reduction <add>, %mul3A_9, %reduce_sum3A [1] : vector<2048x512xf32> to vector<2048xf32>
    %broadcast_in_dim3A = vector.shape_cast %reduce_sum3A_10 : vector<2048xf32> to vector<2048x1xf32>
    %mul3A_11 = arith.mulf %get3A_6, %get3A_6 : vector<2048x512xf32>
    %reduce_sum3A_12 = arith.constant dense<0.000000e+00> : vector<2048xf32>
    %reduce_sum3A_13 = vector.multi_reduction <add>, %mul3A_11, %reduce_sum3A_12 [1] : vector<2048x512xf32> to vector<2048xf32>
    %broadcast_in_dim3A_14 = vector.shape_cast %reduce_sum3A_13 : vector<2048xf32> to vector<1x2048xf32>
    %iota3A = tpu.iota {dimensions = array<i32: 1>} : vector<1x128xi32>
    %get3A_15 = arith.constant 0 : index
    %get3A_16 = arith.constant 0 : index
    %get3A_17 = vector.load %arg5[%get3A_15, %get3A_16] : memref<2048x128xf32, #tpu.memory_space<vmem>>, vector<2048x128xf32>
    %get3A_18 = arith.constant 0 : index
    %get3A_19 = arith.constant 0 : index
    %get3A_20 = vector.load %arg6[%get3A_18, %get3A_19] : memref<2048x128xf32, #tpu.memory_space<vmem>>, vector<2048x128xf32>
    %dot_general3A = arith.constant dense<0.000000e+00> : vector<2048x2048xf32>
    %dot_general3A_21 = tpu.matmul %mul3A_8, %get3A_6, %dot_general3A {dimension_numbers = #tpu.dot_dimension_numbers<[1], [1], [0], [0], [0, 0, 1, 0], [], []>, transpose_lhs_hint = false} : vector<2048x512xf32>, vector<2048x512xf32>, vector<2048x2048xf32> -> vector<2048x2048xf32>
    %slice3A = vector.extract_strided_slice %broadcast_in_dim3A_14 {offsets = [0, 0], sizes = [1, 128], strides = [1, 1]} : vector<1x2048xf32> to vector<1x128xf32>
    %add3A = vector.broadcast %broadcast_in_dim3A : vector<2048x1xf32> to vector<2048x128xf32>
    %add3A_22 = vector.broadcast %slice3A : vector<1x128xf32> to vector<2048x128xf32>
    %add3A_23 = arith.addf %add3A, %add3A_22 : vector<2048x128xf32>
    %slice3A_24 = vector.extract_strided_slice %dot_general3A_21 {offsets = [0, 0], sizes = [2048, 128], strides = [1, 1]} : vector<2048x2048xf32> to vector<2048x128xf32>
    %add3A_25 = arith.addf %add3A_23, %slice3A_24 : vector<2048x128xf32>
    %max3A = arith.constant 0.000000e+00 : f32
    %max3A_26 = vector.broadcast %max3A : f32 to vector<2048x128xf32>
    %max3A_27 = arith.maximumf %add3A_25, %max3A_26 : vector<2048x128xf32>
    %sqrt3A = math.sqrt %max3A_27 : vector<2048x128xf32>
    %mul3A_28 = arith.constant 2048 : i32
    %mul3A_29 = arith.muli %arg1, %mul3A_28 : i32
    %add3A_30 = arith.constant 0 : i32
    %add3A_31 = arith.addi %mul3A_29, %add3A_30 : i32
    %add3A_32 = vector.broadcast %add3A_31 : i32 to vector<1x128xi32>
    %add3A_33 = arith.addi %iota3A, %add3A_32 : vector<1x128xi32>
    %convert_element_type3A_34 = arith.sitofp %add3A_33 : vector<1x128xi32> to vector<1x128xf32>
    %lt3A = arith.cmpf olt, %sqrt3A, %get3A_17 : vector<2048x128xf32>
    %min3A = arith.minimumf %sqrt3A, %get3A_17 : vector<2048x128xf32>
    %broadcast_in_dim3A_35 = vector.shape_cast %convert_element_type3A_34 : vector<1x128xf32> to vector<1x128xf32>
    %broadcast_in_dim3A_36 = vector.broadcast %broadcast_in_dim3A_35 : vector<1x128xf32> to vector<2048x128xf32>
    %select_n3A = arith.select %lt3A, %broadcast_in_dim3A_36, %get3A_20 : vector<2048x128xi1>, vector<2048x128xf32>
    %slice3A_37 = vector.extract_strided_slice %broadcast_in_dim3A_14 {offsets = [0, 128], sizes = [1, 128], strides = [1, 1]} : vector<1x2048xf32> to vector<1x128xf32>
    %add3A_38 = vector.broadcast %broadcast_in_dim3A : vector<2048x1xf32> to vector<2048x128xf32>
    %add3A_39 = vector.broadcast %slice3A_37 : vector<1x128xf32> to vector<2048x128xf32>
    %add3A_40 = arith.addf %add3A_38, %add3A_39 : vector<2048x128xf32>
    %slice3A_41 = vector.extract_strided_slice %dot_general3A_21 {offsets = [0, 128], sizes = [2048, 128], strides = [1, 1]} : vector<2048x2048xf32> to vector<2048x128xf32>
    %add3A_42 = arith.addf %add3A_40, %slice3A_41 : vector<2048x128xf32>
    %max3A_43 = arith.constant 0.000000e+00 : f32
    %max3A_44 = vector.broadcast %max3A_43 : f32 to vector<2048x128xf32>
    %max3A_45 = arith.maximumf %add3A_42, %max3A_44 : vector<2048x128xf32>
    %sqrt3A_46 = math.sqrt %max3A_45 : vector<2048x128xf32>
    %mul3A_47 = arith.constant 2048 : i32
    %mul3A_48 = arith.muli %arg1, %mul3A_47 : i32
    %add3A_49 = arith.constant 128 : i32
    %add3A_50 = arith.addi %mul3A_48, %add3A_49 : i32
    %add3A_51 = vector.broadcast %add3A_50 : i32 to vector<1x128xi32>
    %add3A_52 = arith.addi %iota3A, %add3A_51 : vector<1x128xi32>
    %convert_element_type3A_53 = arith.sitofp %add3A_52 : vector<1x128xi32> to vector<1x128xf32>
    %lt3A_54 = arith.cmpf olt, %sqrt3A_46, %min3A : vector<2048x128xf32>
    %min3A_55 = arith.minimumf %sqrt3A_46, %min3A : vector<2048x128xf32>
    %broadcast_in_dim3A_56 = vector.shape_cast %convert_element_type3A_53 : vector<1x128xf32> to vector<1x128xf32>
    %broadcast_in_dim3A_57 = vector.broadcast %broadcast_in_dim3A_56 : vector<1x128xf32> to vector<2048x128xf32>
    %select_n3A_58 = arith.select %lt3A_54, %broadcast_in_dim3A_57, %select_n3A : vector<2048x128xi1>, vector<2048x128xf32>
    %slice3A_59 = vector.extract_strided_slice %broadcast_in_dim3A_14 {offsets = [0, 256], sizes = [1, 128], strides = [1, 1]} : vector<1x2048xf32> to vector<1x128xf32>
    %add3A_60 = vector.broadcast %broadcast_in_dim3A : vector<2048x1xf32> to vector<2048x128xf32>
    %add3A_61 = vector.broadcast %slice3A_59 : vector<1x128xf32> to vector<2048x128xf32>
    %add3A_62 = arith.addf %add3A_60, %add3A_61 : vector<2048x128xf32>
    %slice3A_63 = vector.extract_strided_slice %dot_general3A_21 {offsets = [0, 256], sizes = [2048, 128], strides = [1, 1]} : vector<2048x2048xf32> to vector<2048x128xf32>
    %add3A_64 = arith.addf %add3A_62, %slice3A_63 : vector<2048x128xf32>
    %max3A_65 = arith.constant 0.000000e+00 : f32
    %max3A_66 = vector.broadcast %max3A_65 : f32 to vector<2048x128xf32>
    %max3A_67 = arith.maximumf %add3A_64, %max3A_66 : vector<2048x128xf32>
    %sqrt3A_68 = math.sqrt %max3A_67 : vector<2048x128xf32>
    %mul3A_69 = arith.constant 2048 : i32
    %mul3A_70 = arith.muli %arg1, %mul3A_69 : i32
    %add3A_71 = arith.constant 256 : i32
    %add3A_72 = arith.addi %mul3A_70, %add3A_71 : i32
    %add3A_73 = vector.broadcast %add3A_72 : i32 to vector<1x128xi32>
    %add3A_74 = arith.addi %iota3A, %add3A_73 : vector<1x128xi32>
    %convert_element_type3A_75 = arith.sitofp %add3A_74 : vector<1x128xi32> to vector<1x128xf32>
    %lt3A_76 = arith.cmpf olt, %sqrt3A_68, %min3A_55 : vector<2048x128xf32>
    %min3A_77 = arith.minimumf %sqrt3A_68, %min3A_55 : vector<2048x128xf32>
    %broadcast_in_dim3A_78 = vector.shape_cast %convert_element_type3A_75 : vector<1x128xf32> to vector<1x128xf32>
    %broadcast_in_dim3A_79 = vector.broadcast %broadcast_in_dim3A_78 : vector<1x128xf32> to vector<2048x128xf32>
    %select_n3A_80 = arith.select %lt3A_76, %broadcast_in_dim3A_79, %select_n3A_58 : vector<2048x128xi1>, vector<2048x128xf32>
    %slice3A_81 = vector.extract_strided_slice %broadcast_in_dim3A_14 {offsets = [0, 384], sizes = [1, 128], strides = [1, 1]} : vector<1x2048xf32> to vector<1x128xf32>
    %add3A_82 = vector.broadcast %broadcast_in_dim3A : vector<2048x1xf32> to vector<2048x128xf32>
    %add3A_83 = vector.broadcast %slice3A_81 : vector<1x128xf32> to vector<2048x128xf32>
    %add3A_84 = arith.addf %add3A_82, %add3A_83 : vector<2048x128xf32>
    %slice3A_85 = vector.extract_strided_slice %dot_general3A_21 {offsets = [0, 384], sizes = [2048, 128], strides = [1, 1]} : vector<2048x2048xf32> to vector<2048x128xf32>
    %add3A_86 = arith.addf %add3A_84, %slice3A_85 : vector<2048x128xf32>
    %max3A_87 = arith.constant 0.000000e+00 : f32
    %max3A_88 = vector.broadcast %max3A_87 : f32 to vector<2048x128xf32>
    %max3A_89 = arith.maximumf %add3A_86, %max3A_88 : vector<2048x128xf32>
    %sqrt3A_90 = math.sqrt %max3A_89 : vector<2048x128xf32>
    %mul3A_91 = arith.constant 2048 : i32
    %mul3A_92 = arith.muli %arg1, %mul3A_91 : i32
    %add3A_93 = arith.constant 384 : i32
    %add3A_94 = arith.addi %mul3A_92, %add3A_93 : i32
    %add3A_95 = vector.broadcast %add3A_94 : i32 to vector<1x128xi32>
    %add3A_96 = arith.addi %iota3A, %add3A_95 : vector<1x128xi32>
    %convert_element_type3A_97 = arith.sitofp %add3A_96 : vector<1x128xi32> to vector<1x128xf32>
    %lt3A_98 = arith.cmpf olt, %sqrt3A_90, %min3A_77 : vector<2048x128xf32>
    %min3A_99 = arith.minimumf %sqrt3A_90, %min3A_77 : vector<2048x128xf32>
    %broadcast_in_dim3A_100 = vector.shape_cast %convert_element_type3A_97 : vector<1x128xf32> to vector<1x128xf32>
    %broadcast_in_dim3A_101 = vector.broadcast %broadcast_in_dim3A_100 : vector<1x128xf32> to vector<2048x128xf32>
    %select_n3A_102 = arith.select %lt3A_98, %broadcast_in_dim3A_101, %select_n3A_80 : vector<2048x128xi1>, vector<2048x128xf32>
    %slice3A_103 = vector.extract_strided_slice %broadcast_in_dim3A_14 {offsets = [0, 512], sizes = [1, 128], strides = [1, 1]} : vector<1x2048xf32> to vector<1x128xf32>
    %add3A_104 = vector.broadcast %broadcast_in_dim3A : vector<2048x1xf32> to vector<2048x128xf32>
    %add3A_105 = vector.broadcast %slice3A_103 : vector<1x128xf32> to vector<2048x128xf32>
    %add3A_106 = arith.addf %add3A_104, %add3A_105 : vector<2048x128xf32>
    %slice3A_107 = vector.extract_strided_slice %dot_general3A_21 {offsets = [0, 512], sizes = [2048, 128], strides = [1, 1]} : vector<2048x2048xf32> to vector<2048x128xf32>
    %add3A_108 = arith.addf %add3A_106, %slice3A_107 : vector<2048x128xf32>
    %max3A_109 = arith.constant 0.000000e+00 : f32
    %max3A_110 = vector.broadcast %max3A_109 : f32 to vector<2048x128xf32>
    %max3A_111 = arith.maximumf %add3A_108, %max3A_110 : vector<2048x128xf32>
    %sqrt3A_112 = math.sqrt %max3A_111 : vector<2048x128xf32>
    %mul3A_113 = arith.constant 2048 : i32
    %mul3A_114 = arith.muli %arg1, %mul3A_113 : i32
    %add3A_115 = arith.constant 512 : i32
    %add3A_116 = arith.addi %mul3A_114, %add3A_115 : i32
    %add3A_117 = vector.broadcast %add3A_116 : i32 to vector<1x128xi32>
    %add3A_118 = arith.addi %iota3A, %add3A_117 : vector<1x128xi32>
    %convert_element_type3A_119 = arith.sitofp %add3A_118 : vector<1x128xi32> to vector<1x128xf32>
    %lt3A_120 = arith.cmpf olt, %sqrt3A_112, %min3A_99 : vector<2048x128xf32>
    %min3A_121 = arith.minimumf %sqrt3A_112, %min3A_99 : vector<2048x128xf32>
    %broadcast_in_dim3A_122 = vector.shape_cast %convert_element_type3A_119 : vector<1x128xf32> to vector<1x128xf32>
    %broadcast_in_dim3A_123 = vector.broadcast %broadcast_in_dim3A_122 : vector<1x128xf32> to vector<2048x128xf32>
    %select_n3A_124 = arith.select %lt3A_120, %broadcast_in_dim3A_123, %select_n3A_102 : vector<2048x128xi1>, vector<2048x128xf32>
    %slice3A_125 = vector.extract_strided_slice %broadcast_in_dim3A_14 {offsets = [0, 640], sizes = [1, 128], strides = [1, 1]} : vector<1x2048xf32> to vector<1x128xf32>
    %add3A_126 = vector.broadcast %broadcast_in_dim3A : vector<2048x1xf32> to vector<2048x128xf32>
    %add3A_127 = vector.broadcast %slice3A_125 : vector<1x128xf32> to vector<2048x128xf32>
    %add3A_128 = arith.addf %add3A_126, %add3A_127 : vector<2048x128xf32>
    %slice3A_129 = vector.extract_strided_slice %dot_general3A_21 {offsets = [0, 640], sizes = [2048, 128], strides = [1, 1]} : vector<2048x2048xf32> to vector<2048x128xf32>
    %add3A_130 = arith.addf %add3A_128, %slice3A_129 : vector<2048x128xf32>
    %max3A_131 = arith.constant 0.000000e+00 : f32
    %max3A_132 = vector.broadcast %max3A_131 : f32 to vector<2048x128xf32>
    %max3A_133 = arith.maximumf %add3A_130, %max3A_132 : vector<2048x128xf32>
    %sqrt3A_134 = math.sqrt %max3A_133 : vector<2048x128xf32>
    %mul3A_135 = arith.constant 2048 : i32
    %mul3A_136 = arith.muli %arg1, %mul3A_135 : i32
    %add3A_137 = arith.constant 640 : i32
    %add3A_138 = arith.addi %mul3A_136, %add3A_137 : i32
    %add3A_139 = vector.broadcast %add3A_138 : i32 to vector<1x128xi32>
    %add3A_140 = arith.addi %iota3A, %add3A_139 : vector<1x128xi32>
    %convert_element_type3A_141 = arith.sitofp %add3A_140 : vector<1x128xi32> to vector<1x128xf32>
    %lt3A_142 = arith.cmpf olt, %sqrt3A_134, %min3A_121 : vector<2048x128xf32>
    %min3A_143 = arith.minimumf %sqrt3A_134, %min3A_121 : vector<2048x128xf32>
    %broadcast_in_dim3A_144 = vector.shape_cast %convert_element_type3A_141 : vector<1x128xf32> to vector<1x128xf32>
    %broadcast_in_dim3A_145 = vector.broadcast %broadcast_in_dim3A_144 : vector<1x128xf32> to vector<2048x128xf32>
    %select_n3A_146 = arith.select %lt3A_142, %broadcast_in_dim3A_145, %select_n3A_124 : vector<2048x128xi1>, vector<2048x128xf32>
    %slice3A_147 = vector.extract_strided_slice %broadcast_in_dim3A_14 {offsets = [0, 768], sizes = [1, 128], strides = [1, 1]} : vector<1x2048xf32> to vector<1x128xf32>
    %add3A_148 = vector.broadcast %broadcast_in_dim3A : vector<2048x1xf32> to vector<2048x128xf32>
    %add3A_149 = vector.broadcast %slice3A_147 : vector<1x128xf32> to vector<2048x128xf32>
    %add3A_150 = arith.addf %add3A_148, %add3A_149 : vector<2048x128xf32>
    %slice3A_151 = vector.extract_strided_slice %dot_general3A_21 {offsets = [0, 768], sizes = [2048, 128], strides = [1, 1]} : vector<2048x2048xf32> to vector<2048x128xf32>
    %add3A_152 = arith.addf %add3A_150, %slice3A_151 : vector<2048x128xf32>
    %max3A_153 = arith.constant 0.000000e+00 : f32
    %max3A_154 = vector.broadcast %max3A_153 : f32 to vector<2048x128xf32>
    %max3A_155 = arith.maximumf %add3A_152, %max3A_154 : vector<2048x128xf32>
    %sqrt3A_156 = math.sqrt %max3A_155 : vector<2048x128xf32>
    %mul3A_157 = arith.constant 2048 : i32
    %mul3A_158 = arith.muli %arg1, %mul3A_157 : i32
    %add3A_159 = arith.constant 768 : i32
    %add3A_160 = arith.addi %mul3A_158, %add3A_159 : i32
    %add3A_161 = vector.broadcast %add3A_160 : i32 to vector<1x128xi32>
    %add3A_162 = arith.addi %iota3A, %add3A_161 : vector<1x128xi32>
    %convert_element_type3A_163 = arith.sitofp %add3A_162 : vector<1x128xi32> to vector<1x128xf32>
    %lt3A_164 = arith.cmpf olt, %sqrt3A_156, %min3A_143 : vector<2048x128xf32>
    %min3A_165 = arith.minimumf %sqrt3A_156, %min3A_143 : vector<2048x128xf32>
    %broadcast_in_dim3A_166 = vector.shape_cast %convert_element_type3A_163 : vector<1x128xf32> to vector<1x128xf32>
    %broadcast_in_dim3A_167 = vector.broadcast %broadcast_in_dim3A_166 : vector<1x128xf32> to vector<2048x128xf32>
    %select_n3A_168 = arith.select %lt3A_164, %broadcast_in_dim3A_167, %select_n3A_146 : vector<2048x128xi1>, vector<2048x128xf32>
    %slice3A_169 = vector.extract_strided_slice %broadcast_in_dim3A_14 {offsets = [0, 896], sizes = [1, 128], strides = [1, 1]} : vector<1x2048xf32> to vector<1x128xf32>
    %add3A_170 = vector.broadcast %broadcast_in_dim3A : vector<2048x1xf32> to vector<2048x128xf32>
    %add3A_171 = vector.broadcast %slice3A_169 : vector<1x128xf32> to vector<2048x128xf32>
    %add3A_172 = arith.addf %add3A_170, %add3A_171 : vector<2048x128xf32>
    %slice3A_173 = vector.extract_strided_slice %dot_general3A_21 {offsets = [0, 896], sizes = [2048, 128], strides = [1, 1]} : vector<2048x2048xf32> to vector<2048x128xf32>
    %add3A_174 = arith.addf %add3A_172, %slice3A_173 : vector<2048x128xf32>
    %max3A_175 = arith.constant 0.000000e+00 : f32
    %max3A_176 = vector.broadcast %max3A_175 : f32 to vector<2048x128xf32>
    %max3A_177 = arith.maximumf %add3A_174, %max3A_176 : vector<2048x128xf32>
    %sqrt3A_178 = math.sqrt %max3A_177 : vector<2048x128xf32>
    %mul3A_179 = arith.constant 2048 : i32
    %mul3A_180 = arith.muli %arg1, %mul3A_179 : i32
    %add3A_181 = arith.constant 896 : i32
    %add3A_182 = arith.addi %mul3A_180, %add3A_181 : i32
    %add3A_183 = vector.broadcast %add3A_182 : i32 to vector<1x128xi32>
    %add3A_184 = arith.addi %iota3A, %add3A_183 : vector<1x128xi32>
    %convert_element_type3A_185 = arith.sitofp %add3A_184 : vector<1x128xi32> to vector<1x128xf32>
    %lt3A_186 = arith.cmpf olt, %sqrt3A_178, %min3A_165 : vector<2048x128xf32>
    %min3A_187 = arith.minimumf %sqrt3A_178, %min3A_165 : vector<2048x128xf32>
    %broadcast_in_dim3A_188 = vector.shape_cast %convert_element_type3A_185 : vector<1x128xf32> to vector<1x128xf32>
    %broadcast_in_dim3A_189 = vector.broadcast %broadcast_in_dim3A_188 : vector<1x128xf32> to vector<2048x128xf32>
    %select_n3A_190 = arith.select %lt3A_186, %broadcast_in_dim3A_189, %select_n3A_168 : vector<2048x128xi1>, vector<2048x128xf32>
    %slice3A_191 = vector.extract_strided_slice %broadcast_in_dim3A_14 {offsets = [0, 1024], sizes = [1, 128], strides = [1, 1]} : vector<1x2048xf32> to vector<1x128xf32>
    %add3A_192 = vector.broadcast %broadcast_in_dim3A : vector<2048x1xf32> to vector<2048x128xf32>
    %add3A_193 = vector.broadcast %slice3A_191 : vector<1x128xf32> to vector<2048x128xf32>
    %add3A_194 = arith.addf %add3A_192, %add3A_193 : vector<2048x128xf32>
    %slice3A_195 = vector.extract_strided_slice %dot_general3A_21 {offsets = [0, 1024], sizes = [2048, 128], strides = [1, 1]} : vector<2048x2048xf32> to vector<2048x128xf32>
    %add3A_196 = arith.addf %add3A_194, %slice3A_195 : vector<2048x128xf32>
    %max3A_197 = arith.constant 0.000000e+00 : f32
    %max3A_198 = vector.broadcast %max3A_197 : f32 to vector<2048x128xf32>
    %max3A_199 = arith.maximumf %add3A_196, %max3A_198 : vector<2048x128xf32>
    %sqrt3A_200 = math.sqrt %max3A_199 : vector<2048x128xf32>
    %mul3A_201 = arith.constant 2048 : i32
    %mul3A_202 = arith.muli %arg1, %mul3A_201 : i32
    %add3A_203 = arith.constant 1024 : i32
    %add3A_204 = arith.addi %mul3A_202, %add3A_203 : i32
    %add3A_205 = vector.broadcast %add3A_204 : i32 to vector<1x128xi32>
    %add3A_206 = arith.addi %iota3A, %add3A_205 : vector<1x128xi32>
    %convert_element_type3A_207 = arith.sitofp %add3A_206 : vector<1x128xi32> to vector<1x128xf32>
    %lt3A_208 = arith.cmpf olt, %sqrt3A_200, %min3A_187 : vector<2048x128xf32>
    %min3A_209 = arith.minimumf %sqrt3A_200, %min3A_187 : vector<2048x128xf32>
    %broadcast_in_dim3A_210 = vector.shape_cast %convert_element_type3A_207 : vector<1x128xf32> to vector<1x128xf32>
    %broadcast_in_dim3A_211 = vector.broadcast %broadcast_in_dim3A_210 : vector<1x128xf32> to vector<2048x128xf32>
    %select_n3A_212 = arith.select %lt3A_208, %broadcast_in_dim3A_211, %select_n3A_190 : vector<2048x128xi1>, vector<2048x128xf32>
    %slice3A_213 = vector.extract_strided_slice %broadcast_in_dim3A_14 {offsets = [0, 1152], sizes = [1, 128], strides = [1, 1]} : vector<1x2048xf32> to vector<1x128xf32>
    %add3A_214 = vector.broadcast %broadcast_in_dim3A : vector<2048x1xf32> to vector<2048x128xf32>
    %add3A_215 = vector.broadcast %slice3A_213 : vector<1x128xf32> to vector<2048x128xf32>
    %add3A_216 = arith.addf %add3A_214, %add3A_215 : vector<2048x128xf32>
    %slice3A_217 = vector.extract_strided_slice %dot_general3A_21 {offsets = [0, 1152], sizes = [2048, 128], strides = [1, 1]} : vector<2048x2048xf32> to vector<2048x128xf32>
    %add3A_218 = arith.addf %add3A_216, %slice3A_217 : vector<2048x128xf32>
    %max3A_219 = arith.constant 0.000000e+00 : f32
    %max3A_220 = vector.broadcast %max3A_219 : f32 to vector<2048x128xf32>
    %max3A_221 = arith.maximumf %add3A_218, %max3A_220 : vector<2048x128xf32>
    %sqrt3A_222 = math.sqrt %max3A_221 : vector<2048x128xf32>
    %mul3A_223 = arith.constant 2048 : i32
    %mul3A_224 = arith.muli %arg1, %mul3A_223 : i32
    %add3A_225 = arith.constant 1152 : i32
    %add3A_226 = arith.addi %mul3A_224, %add3A_225 : i32
    %add3A_227 = vector.broadcast %add3A_226 : i32 to vector<1x128xi32>
    %add3A_228 = arith.addi %iota3A, %add3A_227 : vector<1x128xi32>
    %convert_element_type3A_229 = arith.sitofp %add3A_228 : vector<1x128xi32> to vector<1x128xf32>
    %lt3A_230 = arith.cmpf olt, %sqrt3A_222, %min3A_209 : vector<2048x128xf32>
    %min3A_231 = arith.minimumf %sqrt3A_222, %min3A_209 : vector<2048x128xf32>
    %broadcast_in_dim3A_232 = vector.shape_cast %convert_element_type3A_229 : vector<1x128xf32> to vector<1x128xf32>
    %broadcast_in_dim3A_233 = vector.broadcast %broadcast_in_dim3A_232 : vector<1x128xf32> to vector<2048x128xf32>
    %select_n3A_234 = arith.select %lt3A_230, %broadcast_in_dim3A_233, %select_n3A_212 : vector<2048x128xi1>, vector<2048x128xf32>
    %slice3A_235 = vector.extract_strided_slice %broadcast_in_dim3A_14 {offsets = [0, 1280], sizes = [1, 128], strides = [1, 1]} : vector<1x2048xf32> to vector<1x128xf32>
    %add3A_236 = vector.broadcast %broadcast_in_dim3A : vector<2048x1xf32> to vector<2048x128xf32>
    %add3A_237 = vector.broadcast %slice3A_235 : vector<1x128xf32> to vector<2048x128xf32>
    %add3A_238 = arith.addf %add3A_236, %add3A_237 : vector<2048x128xf32>
    %slice3A_239 = vector.extract_strided_slice %dot_general3A_21 {offsets = [0, 1280], sizes = [2048, 128], strides = [1, 1]} : vector<2048x2048xf32> to vector<2048x128xf32>
    %add3A_240 = arith.addf %add3A_238, %slice3A_239 : vector<2048x128xf32>
    %max3A_241 = arith.constant 0.000000e+00 : f32
    %max3A_242 = vector.broadcast %max3A_241 : f32 to vector<2048x128xf32>
    %max3A_243 = arith.maximumf %add3A_240, %max3A_242 : vector<2048x128xf32>
    %sqrt3A_244 = math.sqrt %max3A_243 : vector<2048x128xf32>
    %mul3A_245 = arith.constant 2048 : i32
    %mul3A_246 = arith.muli %arg1, %mul3A_245 : i32
    %add3A_247 = arith.constant 1280 : i32
    %add3A_248 = arith.addi %mul3A_246, %add3A_247 : i32
    %add3A_249 = vector.broadcast %add3A_248 : i32 to vector<1x128xi32>
    %add3A_250 = arith.addi %iota3A, %add3A_249 : vector<1x128xi32>
    %convert_element_type3A_251 = arith.sitofp %add3A_250 : vector<1x128xi32> to vector<1x128xf32>
    %lt3A_252 = arith.cmpf olt, %sqrt3A_244, %min3A_231 : vector<2048x128xf32>
    %min3A_253 = arith.minimumf %sqrt3A_244, %min3A_231 : vector<2048x128xf32>
    %broadcast_in_dim3A_254 = vector.shape_cast %convert_element_type3A_251 : vector<1x128xf32> to vector<1x128xf32>
    %broadcast_in_dim3A_255 = vector.broadcast %broadcast_in_dim3A_254 : vector<1x128xf32> to vector<2048x128xf32>
    %select_n3A_256 = arith.select %lt3A_252, %broadcast_in_dim3A_255, %select_n3A_234 : vector<2048x128xi1>, vector<2048x128xf32>
    %slice3A_257 = vector.extract_strided_slice %broadcast_in_dim3A_14 {offsets = [0, 1408], sizes = [1, 128], strides = [1, 1]} : vector<1x2048xf32> to vector<1x128xf32>
    %add3A_258 = vector.broadcast %broadcast_in_dim3A : vector<2048x1xf32> to vector<2048x128xf32>
    %add3A_259 = vector.broadcast %slice3A_257 : vector<1x128xf32> to vector<2048x128xf32>
    %add3A_260 = arith.addf %add3A_258, %add3A_259 : vector<2048x128xf32>
    %slice3A_261 = vector.extract_strided_slice %dot_general3A_21 {offsets = [0, 1408], sizes = [2048, 128], strides = [1, 1]} : vector<2048x2048xf32> to vector<2048x128xf32>
    %add3A_262 = arith.addf %add3A_260, %slice3A_261 : vector<2048x128xf32>
    %max3A_263 = arith.constant 0.000000e+00 : f32
    %max3A_264 = vector.broadcast %max3A_263 : f32 to vector<2048x128xf32>
    %max3A_265 = arith.maximumf %add3A_262, %max3A_264 : vector<2048x128xf32>
    %sqrt3A_266 = math.sqrt %max3A_265 : vector<2048x128xf32>
    %mul3A_267 = arith.constant 2048 : i32
    %mul3A_268 = arith.muli %arg1, %mul3A_267 : i32
    %add3A_269 = arith.constant 1408 : i32
    %add3A_270 = arith.addi %mul3A_268, %add3A_269 : i32
    %add3A_271 = vector.broadcast %add3A_270 : i32 to vector<1x128xi32>
    %add3A_272 = arith.addi %iota3A, %add3A_271 : vector<1x128xi32>
    %convert_element_type3A_273 = arith.sitofp %add3A_272 : vector<1x128xi32> to vector<1x128xf32>
    %lt3A_274 = arith.cmpf olt, %sqrt3A_266, %min3A_253 : vector<2048x128xf32>
    %min3A_275 = arith.minimumf %sqrt3A_266, %min3A_253 : vector<2048x128xf32>
    %broadcast_in_dim3A_276 = vector.shape_cast %convert_element_type3A_273 : vector<1x128xf32> to vector<1x128xf32>
    %broadcast_in_dim3A_277 = vector.broadcast %broadcast_in_dim3A_276 : vector<1x128xf32> to vector<2048x128xf32>
    %select_n3A_278 = arith.select %lt3A_274, %broadcast_in_dim3A_277, %select_n3A_256 : vector<2048x128xi1>, vector<2048x128xf32>
    %slice3A_279 = vector.extract_strided_slice %broadcast_in_dim3A_14 {offsets = [0, 1536], sizes = [1, 128], strides = [1, 1]} : vector<1x2048xf32> to vector<1x128xf32>
    %add3A_280 = vector.broadcast %broadcast_in_dim3A : vector<2048x1xf32> to vector<2048x128xf32>
    %add3A_281 = vector.broadcast %slice3A_279 : vector<1x128xf32> to vector<2048x128xf32>
    %add3A_282 = arith.addf %add3A_280, %add3A_281 : vector<2048x128xf32>
    %slice3A_283 = vector.extract_strided_slice %dot_general3A_21 {offsets = [0, 1536], sizes = [2048, 128], strides = [1, 1]} : vector<2048x2048xf32> to vector<2048x128xf32>
    %add3A_284 = arith.addf %add3A_282, %slice3A_283 : vector<2048x128xf32>
    %max3A_285 = arith.constant 0.000000e+00 : f32
    %max3A_286 = vector.broadcast %max3A_285 : f32 to vector<2048x128xf32>
    %max3A_287 = arith.maximumf %add3A_284, %max3A_286 : vector<2048x128xf32>
    %sqrt3A_288 = math.sqrt %max3A_287 : vector<2048x128xf32>
    %mul3A_289 = arith.constant 2048 : i32
    %mul3A_290 = arith.muli %arg1, %mul3A_289 : i32
    %add3A_291 = arith.constant 1536 : i32
    %add3A_292 = arith.addi %mul3A_290, %add3A_291 : i32
    %add3A_293 = vector.broadcast %add3A_292 : i32 to vector<1x128xi32>
    %add3A_294 = arith.addi %iota3A, %add3A_293 : vector<1x128xi32>
    %convert_element_type3A_295 = arith.sitofp %add3A_294 : vector<1x128xi32> to vector<1x128xf32>
    %lt3A_296 = arith.cmpf olt, %sqrt3A_288, %min3A_275 : vector<2048x128xf32>
    %min3A_297 = arith.minimumf %sqrt3A_288, %min3A_275 : vector<2048x128xf32>
    %broadcast_in_dim3A_298 = vector.shape_cast %convert_element_type3A_295 : vector<1x128xf32> to vector<1x128xf32>
    %broadcast_in_dim3A_299 = vector.broadcast %broadcast_in_dim3A_298 : vector<1x128xf32> to vector<2048x128xf32>
    %select_n3A_300 = arith.select %lt3A_296, %broadcast_in_dim3A_299, %select_n3A_278 : vector<2048x128xi1>, vector<2048x128xf32>
    %slice3A_301 = vector.extract_strided_slice %broadcast_in_dim3A_14 {offsets = [0, 1664], sizes = [1, 128], strides = [1, 1]} : vector<1x2048xf32> to vector<1x128xf32>
    %add3A_302 = vector.broadcast %broadcast_in_dim3A : vector<2048x1xf32> to vector<2048x128xf32>
    %add3A_303 = vector.broadcast %slice3A_301 : vector<1x128xf32> to vector<2048x128xf32>
    %add3A_304 = arith.addf %add3A_302, %add3A_303 : vector<2048x128xf32>
    %slice3A_305 = vector.extract_strided_slice %dot_general3A_21 {offsets = [0, 1664], sizes = [2048, 128], strides = [1, 1]} : vector<2048x2048xf32> to vector<2048x128xf32>
    %add3A_306 = arith.addf %add3A_304, %slice3A_305 : vector<2048x128xf32>
    %max3A_307 = arith.constant 0.000000e+00 : f32
    %max3A_308 = vector.broadcast %max3A_307 : f32 to vector<2048x128xf32>
    %max3A_309 = arith.maximumf %add3A_306, %max3A_308 : vector<2048x128xf32>
    %sqrt3A_310 = math.sqrt %max3A_309 : vector<2048x128xf32>
    %mul3A_311 = arith.constant 2048 : i32
    %mul3A_312 = arith.muli %arg1, %mul3A_311 : i32
    %add3A_313 = arith.constant 1664 : i32
    %add3A_314 = arith.addi %mul3A_312, %add3A_313 : i32
    %add3A_315 = vector.broadcast %add3A_314 : i32 to vector<1x128xi32>
    %add3A_316 = arith.addi %iota3A, %add3A_315 : vector<1x128xi32>
    %convert_element_type3A_317 = arith.sitofp %add3A_316 : vector<1x128xi32> to vector<1x128xf32>
    %lt3A_318 = arith.cmpf olt, %sqrt3A_310, %min3A_297 : vector<2048x128xf32>
    %min3A_319 = arith.minimumf %sqrt3A_310, %min3A_297 : vector<2048x128xf32>
    %broadcast_in_dim3A_320 = vector.shape_cast %convert_element_type3A_317 : vector<1x128xf32> to vector<1x128xf32>
    %broadcast_in_dim3A_321 = vector.broadcast %broadcast_in_dim3A_320 : vector<1x128xf32> to vector<2048x128xf32>
    %select_n3A_322 = arith.select %lt3A_318, %broadcast_in_dim3A_321, %select_n3A_300 : vector<2048x128xi1>, vector<2048x128xf32>
    %slice3A_323 = vector.extract_strided_slice %broadcast_in_dim3A_14 {offsets = [0, 1792], sizes = [1, 128], strides = [1, 1]} : vector<1x2048xf32> to vector<1x128xf32>
    %add3A_324 = vector.broadcast %broadcast_in_dim3A : vector<2048x1xf32> to vector<2048x128xf32>
    %add3A_325 = vector.broadcast %slice3A_323 : vector<1x128xf32> to vector<2048x128xf32>
    %add3A_326 = arith.addf %add3A_324, %add3A_325 : vector<2048x128xf32>
    %slice3A_327 = vector.extract_strided_slice %dot_general3A_21 {offsets = [0, 1792], sizes = [2048, 128], strides = [1, 1]} : vector<2048x2048xf32> to vector<2048x128xf32>
    %add3A_328 = arith.addf %add3A_326, %slice3A_327 : vector<2048x128xf32>
    %max3A_329 = arith.constant 0.000000e+00 : f32
    %max3A_330 = vector.broadcast %max3A_329 : f32 to vector<2048x128xf32>
    %max3A_331 = arith.maximumf %add3A_328, %max3A_330 : vector<2048x128xf32>
    %sqrt3A_332 = math.sqrt %max3A_331 : vector<2048x128xf32>
    %mul3A_333 = arith.constant 2048 : i32
    %mul3A_334 = arith.muli %arg1, %mul3A_333 : i32
    %add3A_335 = arith.constant 1792 : i32
    %add3A_336 = arith.addi %mul3A_334, %add3A_335 : i32
    %add3A_337 = vector.broadcast %add3A_336 : i32 to vector<1x128xi32>
    %add3A_338 = arith.addi %iota3A, %add3A_337 : vector<1x128xi32>
    %convert_element_type3A_339 = arith.sitofp %add3A_338 : vector<1x128xi32> to vector<1x128xf32>
    %lt3A_340 = arith.cmpf olt, %sqrt3A_332, %min3A_319 : vector<2048x128xf32>
    %min3A_341 = arith.minimumf %sqrt3A_332, %min3A_319 : vector<2048x128xf32>
    %broadcast_in_dim3A_342 = vector.shape_cast %convert_element_type3A_339 : vector<1x128xf32> to vector<1x128xf32>
    %broadcast_in_dim3A_343 = vector.broadcast %broadcast_in_dim3A_342 : vector<1x128xf32> to vector<2048x128xf32>
    %select_n3A_344 = arith.select %lt3A_340, %broadcast_in_dim3A_343, %select_n3A_322 : vector<2048x128xi1>, vector<2048x128xf32>
    %slice3A_345 = vector.extract_strided_slice %broadcast_in_dim3A_14 {offsets = [0, 1920], sizes = [1, 128], strides = [1, 1]} : vector<1x2048xf32> to vector<1x128xf32>
    %add3A_346 = vector.broadcast %broadcast_in_dim3A : vector<2048x1xf32> to vector<2048x128xf32>
    %add3A_347 = vector.broadcast %slice3A_345 : vector<1x128xf32> to vector<2048x128xf32>
    %add3A_348 = arith.addf %add3A_346, %add3A_347 : vector<2048x128xf32>
    %slice3A_349 = vector.extract_strided_slice %dot_general3A_21 {offsets = [0, 1920], sizes = [2048, 128], strides = [1, 1]} : vector<2048x2048xf32> to vector<2048x128xf32>
    %add3A_350 = arith.addf %add3A_348, %slice3A_349 : vector<2048x128xf32>
    %max3A_351 = arith.constant 0.000000e+00 : f32
    %max3A_352 = vector.broadcast %max3A_351 : f32 to vector<2048x128xf32>
    %max3A_353 = arith.maximumf %add3A_350, %max3A_352 : vector<2048x128xf32>
    %sqrt3A_354 = math.sqrt %max3A_353 : vector<2048x128xf32>
    %mul3A_355 = arith.constant 2048 : i32
    %mul3A_356 = arith.muli %arg1, %mul3A_355 : i32
    %add3A_357 = arith.constant 1920 : i32
    %add3A_358 = arith.addi %mul3A_356, %add3A_357 : i32
    %add3A_359 = vector.broadcast %add3A_358 : i32 to vector<1x128xi32>
    %add3A_360 = arith.addi %iota3A, %add3A_359 : vector<1x128xi32>
    %convert_element_type3A_361 = arith.sitofp %add3A_360 : vector<1x128xi32> to vector<1x128xf32>
    %lt3A_362 = arith.cmpf olt, %sqrt3A_354, %min3A_341 : vector<2048x128xf32>
    %min3A_363 = arith.minimumf %sqrt3A_354, %min3A_341 : vector<2048x128xf32>
    %broadcast_in_dim3A_364 = vector.shape_cast %convert_element_type3A_361 : vector<1x128xf32> to vector<1x128xf32>
    %broadcast_in_dim3A_365 = vector.broadcast %broadcast_in_dim3A_364 : vector<1x128xf32> to vector<2048x128xf32>
    %select_n3A_366 = arith.select %lt3A_362, %broadcast_in_dim3A_365, %select_n3A_344 : vector<2048x128xi1>, vector<2048x128xf32>
    %swap3A = arith.constant 0 : index
    %swap3A_367 = arith.constant 0 : index
    %swap3A_368 = vector.load %arg5[%swap3A, %swap3A_367] : memref<2048x128xf32, #tpu.memory_space<vmem>>, vector<2048x128xf32>
    tpu.vector_store %arg5[%swap3A, %swap3A_367], %min3A_363 {strides = array<i32>} : memref<2048x128xf32, #tpu.memory_space<vmem>>, vector<2048x128xf32>,
    %swap3A_369 = arith.constant 0 : index
    %swap3A_370 = arith.constant 0 : index
    %swap3A_371 = vector.load %arg6[%swap3A_369, %swap3A_370] : memref<2048x128xf32, #tpu.memory_space<vmem>>, vector<2048x128xf32>
    tpu.vector_store %arg6[%swap3A_369, %swap3A_370], %select_n3A_366 {strides = array<i32>} : memref<2048x128xf32, #tpu.memory_space<vmem>>, vector<2048x128xf32>,
    %eq3A_372 = arith.constant 3 : i32
    %eq3A_373 = arith.cmpi eq, %arg1, %eq3A_372 : i32
    %convert_element_type3A_374 = arith.extui %eq3A_373 : i1 to i32
    %cond3A_375 = arith.constant 0 : i32
    %cond3A_376 = arith.cmpi ne, %convert_element_type3A_374, %cond3A_375 : i32
    scf.if %cond3A_376 {
      %reduce_min3A = arith.constant dense<0x7F800000> : vector<2048xf32>
      %reduce_min3A_377 = vector.multi_reduction <minimumf>, %min3A_363, %reduce_min3A [1] : vector<2048x128xf32> to vector<2048xf32>
      %broadcast_in_dim3A_378 = vector.shape_cast %reduce_min3A_377 : vector<2048xf32> to vector<2048x1xf32>
      %eq3A_379 = vector.broadcast %broadcast_in_dim3A_378 : vector<2048x1xf32> to vector<2048x128xf32>
      %eq3A_380 = arith.cmpf oeq, %min3A_363, %eq3A_379 : vector<2048x128xf32>
      %jit3A = arith.constant 3.000000e+38 : f32
      %broadcast_in_dim3A_381 = vector.broadcast %jit3A : f32 to vector<2048x128xf32>
      %select_n3A_382 = arith.select %eq3A_380, %select_n3A_366, %broadcast_in_dim3A_381 : vector<2048x128xi1>, vector<2048x128xf32>
      %reduce_min3A_383 = arith.constant dense<0x7F800000> : vector<2048xf32>
      %reduce_min3A_384 = vector.multi_reduction <minimumf>, %select_n3A_382, %reduce_min3A_383 [1] : vector<2048x128xf32> to vector<2048xf32>
      %broadcast_in_dim3A_385 = vector.shape_cast %reduce_min3A_384 : vector<2048xf32> to vector<2048x1xf32>
      %convert_element_type3A_386 = arith.fptosi %broadcast_in_dim3A_385 : vector<2048x1xf32> to vector<2048x1xi32>
      %swap3A_387 = arith.constant 0 : index
      %swap3A_388 = arith.constant 0 : index
      %swap3A_389 = vector.load %arg4[%swap3A_387, %swap3A_388] : memref<2048x1xi32, #tpu.memory_space<vmem>>, vector<2048x1xi32>
      tpu.vector_store %arg4[%swap3A_387, %swap3A_388], %convert_element_type3A_386 {strides = array<i32>} : memref<2048x1xi32, #tpu.memory_space<vmem>>, vector<2048x1xi32>,
    } else {
    }
    return
  }
  func.func @transform_0(%arg0: i32, %arg1: i32) -> (i32, i32) {
    %c0_i32 = arith.constant 0 : i32
    %c0_i32_0 = arith.constant 0 : i32
    return %arg0, %c0_i32 : i32, i32
  }
  func.func @transform_1(%arg0: i32, %arg1: i32) -> (i32, i32) {
    %c0_i32 = arith.constant 0 : i32
    %c0_i32_0 = arith.constant 0 : i32
    return %arg1, %c0_i32 : i32, i32
  }
  func.func @transform_2(%arg0: i32, %arg1: i32) -> (i32, i32) {
    %c0_i32 = arith.constant 0 : i32
    %c0_i32_0 = arith.constant 0 : i32
    return %arg0, %c0_i32 : i32, i32
  }
}

module attributes {stable_mosaic.version = 14 : i64} {
  func.func @_mlp_body(%arg0: i32, %arg1: memref<1024x512xf32, #tpu.memory_space<vmem>>, %arg2: memref<1024x512xf32, #tpu.memory_space<vmem>>, %arg3: memref<1024x512xf32, #tpu.memory_space<vmem>>, %arg4: memref<1x512xf32, #tpu.memory_space<vmem>>, %arg5: memref<512x1xf32, #tpu.memory_space<vmem>>, %arg6: memref<1x1xf32, #tpu.memory_space<vmem>>, %arg7: memref<1024x512xf32, #tpu.memory_space<vmem>>) attributes {dimension_semantics = [#tpu.dimension_semantics<arbitrary>], iteration_bounds = array<i64: 4>, scalar_prefetch = 0 : i64, scratch_operands = 0 : i64, tpu.core_type = #tpu.core_type<tc>, window_params = [{transform_indices = @transform_0, window_bounds = array<i64: 1024, 512>}, {transform_indices = @transform_1, window_bounds = array<i64: 1024, 512>}, {pipeline_mode = #tpu.pipeline_mode<synchronous>, transform_indices = @transform_2, window_bounds = array<i64: 1024, 512>}, {pipeline_mode = #tpu.pipeline_mode<synchronous>, transform_indices = @transform_3, window_bounds = array<i64: 1, 512>}, {pipeline_mode = #tpu.pipeline_mode<synchronous>, transform_indices = @transform_4, window_bounds = array<i64: 512, 1>}, {pipeline_mode = #tpu.pipeline_mode<synchronous>, transform_indices = @transform_5, window_bounds = array<i64: 1, 1>}, {transform_indices = @transform_6, window_bounds = array<i64: 1024, 512>}]} {
    %get3A = arith.constant 0 : index
    %get3A_0 = arith.constant 0 : index
    %get3A_1 = vector.load %arg1[%get3A, %get3A_0] : memref<1024x512xf32, #tpu.memory_space<vmem>>, vector<1024x512xf32>
    %get3A_2 = arith.constant 0 : index
    %get3A_3 = arith.constant 0 : index
    %get3A_4 = vector.load %arg2[%get3A_2, %get3A_3] : memref<1024x512xf32, #tpu.memory_space<vmem>>, vector<1024x512xf32>
    %concatenate3A = tpu.concatenate %get3A_1, %get3A_4 in 1 : vector<1024x512xf32>, vector<1024x512xf32> -> vector<1024x1024xf32>
    %get3A_5 = arith.constant 0 : index
    %get3A_6 = arith.constant 0 : index
    %get3A_7 = vector.load %arg3[%get3A_5, %get3A_6] : memref<1024x512xf32, #tpu.memory_space<vmem>>, vector<1024x512xf32>
    %dot_general3A = arith.constant dense<0.000000e+00> : vector<1024x512xf32>
    %dot_general3A_8 = tpu.matmul %concatenate3A, %get3A_7, %dot_general3A {dimension_numbers = #tpu.dot_dimension_numbers<[1], [0], [0], [1], [0, 0, 1, 1], [], []>, transpose_lhs_hint = false} : vector<1024x1024xf32>, vector<1024x512xf32>, vector<1024x512xf32> -> vector<1024x512xf32>
    %get3A_9 = arith.constant 0 : index
    %get3A_10 = arith.constant 0 : index
    %get3A_11 = vector.load %arg4[%get3A_9, %get3A_10] : memref<1x512xf32, #tpu.memory_space<vmem>>, vector<1x512xf32>
    %add3A = vector.broadcast %get3A_11 : vector<1x512xf32> to vector<1024x512xf32>
    %add3A_12 = arith.addf %dot_general3A_8, %add3A : vector<1024x512xf32>
    %max3A = arith.constant 0.000000e+00 : f32
    %max3A_13 = vector.broadcast %max3A : f32 to vector<1024x512xf32>
    %max3A_14 = arith.maximumf %add3A_12, %max3A_13 : vector<1024x512xf32>
    %get3A_15 = arith.constant 0 : index
    %get3A_16 = arith.constant 0 : index
    %get3A_17 = vector.load %arg5[%get3A_15, %get3A_16] : memref<512x1xf32, #tpu.memory_space<vmem>>, vector<512x1xf32>
    %dot_general3A_18 = arith.constant dense<0.000000e+00> : vector<1024x1xf32>
    %dot_general3A_19 = tpu.matmul %max3A_14, %get3A_17, %dot_general3A_18 {dimension_numbers = #tpu.dot_dimension_numbers<[1], [0], [0], [1], [0, 0, 1, 1], [], []>, transpose_lhs_hint = false} : vector<1024x512xf32>, vector<512x1xf32>, vector<1024x1xf32> -> vector<1024x1xf32>
    %get3A_20 = arith.constant 0 : index
    %get3A_21 = arith.constant 0 : index
    %get3A_22 = vector.load %arg6[%get3A_20, %get3A_21] : memref<1x1xf32, #tpu.memory_space<vmem>>, vector<1x1xf32>
    %add3A_23 = vector.broadcast %get3A_22 : vector<1x1xf32> to vector<1024x1xf32>
    %add3A_24 = arith.addf %dot_general3A_19, %add3A_23 : vector<1024x1xf32>
    %logistic3A = arith.negf %add3A_24 : vector<1024x1xf32>
    %logistic3A_25 = math.exp %logistic3A : vector<1024x1xf32>
    %logistic3A_26 = arith.constant 1.000000e+00 : f32
    %logistic3A_27 = vector.broadcast %logistic3A_26 : f32 to vector<1024x1xf32>
    %logistic3A_28 = arith.addf %logistic3A_27, %logistic3A_25 : vector<1024x1xf32>
    %logistic3A_29 = arith.divf %logistic3A_27, %logistic3A_28 : vector<1024x1xf32>
    %mul3A = vector.broadcast %logistic3A_29 : vector<1024x1xf32> to vector<1024x512xf32>
    %mul3A_30 = arith.mulf %mul3A, %get3A_1 : vector<1024x512xf32>
    %sub3A = arith.constant 1.000000e+00 : f32
    %sub3A_31 = vector.broadcast %sub3A : f32 to vector<1024x1xf32>
    %sub3A_32 = arith.subf %sub3A_31, %logistic3A_29 : vector<1024x1xf32>
    %mul3A_33 = vector.broadcast %sub3A_32 : vector<1024x1xf32> to vector<1024x512xf32>
    %mul3A_34 = arith.mulf %mul3A_33, %get3A_4 : vector<1024x512xf32>
    %add3A_35 = arith.addf %mul3A_30, %mul3A_34 : vector<1024x512xf32>
    %swap3A = arith.constant 0 : index
    %swap3A_36 = arith.constant 0 : index
    %swap3A_37 = vector.load %arg7[%swap3A, %swap3A_36] : memref<1024x512xf32, #tpu.memory_space<vmem>>, vector<1024x512xf32>
    tpu.vector_store %arg7[%swap3A, %swap3A_36], %add3A_35 {strides = array<i32>} : memref<1024x512xf32, #tpu.memory_space<vmem>>, vector<1024x512xf32>,
    return
  }
  func.func @transform_0(%arg0: i32) -> (i32, i32) {
    %c0_i32 = arith.constant 0 : i32
    %c0_i32_0 = arith.constant 0 : i32
    return %arg0, %c0_i32 : i32, i32
  }
  func.func @transform_1(%arg0: i32) -> (i32, i32) {
    %c0_i32 = arith.constant 0 : i32
    %c0_i32_0 = arith.constant 0 : i32
    return %arg0, %c0_i32 : i32, i32
  }
  func.func @transform_2(%arg0: i32) -> (i32, i32) {
    %c0_i32 = arith.constant 0 : i32
    %c0_i32_0 = arith.constant 0 : i32
    %c0_i32_1 = arith.constant 0 : i32
    return %c0_i32, %c0_i32_0 : i32, i32
  }
  func.func @transform_3(%arg0: i32) -> (i32, i32) {
    %c0_i32 = arith.constant 0 : i32
    %c0_i32_0 = arith.constant 0 : i32
    %c0_i32_1 = arith.constant 0 : i32
    return %c0_i32, %c0_i32_0 : i32, i32
  }
  func.func @transform_4(%arg0: i32) -> (i32, i32) {
    %c0_i32 = arith.constant 0 : i32
    %c0_i32_0 = arith.constant 0 : i32
    %c0_i32_1 = arith.constant 0 : i32
    return %c0_i32, %c0_i32_0 : i32, i32
  }
  func.func @transform_5(%arg0: i32) -> (i32, i32) {
    %c0_i32 = arith.constant 0 : i32
    %c0_i32_0 = arith.constant 0 : i32
    %c0_i32_1 = arith.constant 0 : i32
    return %c0_i32, %c0_i32_0 : i32, i32
  }
  func.func @transform_6(%arg0: i32) -> (i32, i32) {
    %c0_i32 = arith.constant 0 : i32
    %c0_i32_0 = arith.constant 0 : i32
    return %arg0, %c0_i32 : i32, i32
  }
}

</mosaic_0001>

<sc_bundles>
// kernel: kernel.5.cloned.1.call-start
scs
__scs_entry_jumppad:
0x0: {  	(pc) =	sbr.rel $0x88, $3  }
0x1: {  	(tag) =	ssettag $0x0;
	lr =	simm.s32 $0x1  }
0x2: {  	[smem:$0x3F9B] =	sst lr;
	_ =	strace $0xD0000000  }
0x3: {  	_ = 	snop  }
0x4: {  	_ = 	snop  }
0x5: {  	_ = 	snop  }
0x6: {  	_ = 	snop  }
0x7: {  	_ = 	snop  }
__scs_overlays_trampoline_lowered:
0x8: {  	[smem:$0x3FAA] =	sst s0  }
0x9: {  	[smem:$0x3FAB] =	sst s1  }
0xa: {  	[smem:$0x3FAC] =	sst s2  }
0xb: {  	[smem:$0x3FAD] =	sst s3  }
0xc: {  	[smem:$0x3FAE] =	sst s4  }
0xd: {  	[smem:$0x3FAF] =	sst s5  }
0xe: {  	[smem:$0x3FB0] =	sst s6  }
0xf: {  	[smem:$0x3FB1] =	sst s7  }
0x10: {  	[smem:$0x3FB2] =	sst s8  }
0x11: {  	[smem:$0x3FB3] =	sst s9;
	s0 =	simm.s32 @!p0 $0x0  }
0x12: {  	s1 =	sld [smem:$0x3F99];
	s0 =	simm.s32 @p0 $0x1  }
0x13: {  	[smem:$0x3FB4] =	sst s0;
	s0 =	simm.s32 @!p1 $0x0  }
0x14: {  	s2 =	sld [smem:$0x3F98];
	s0 =	simm.s32 @p1 $0x1  }
0x15: {  	[smem:$0x3FB5] =	sst s0;
	s0 =	simm.s32 @!p2 $0x0  }
0x16: {  	s3 =	sld [smem:$0x3FDB];
	s0 =	simm.s32 @p2 $0x1  }
0x17: {  	s4 =	simm.s32 $0x1BF5;
	[smem:$0x3FB7] =	sst s0  }
0x18: {  	s0 =	sld [smem:$0x3F9A];
	_ =	swait.ge [sflag:s4], $0x0  }
0x19: {  	s7 =	sld [smem:$0x3F9B]  }
0x1a: {  	s8 =	sadd.s32 $0xFFFFE003, lr  }
0x1b: {  	s9 =	sadd.s32 $0xFFFFFEF7, lr;
	s5 =	simm.s32 $0xFFFFFFFF;
	p2 =	slt.u32 s8, $0xFFFFF086  }
0x1c: {  	p1 =	slt.u32 s9, $0xF7A;
	s5 =	simm.s32 @!p2 $0x0  }
0x1d: {  	s5 =	simm.s32 @p1 $0x1;
	p0 =	seq.s32 s7, s2  }
0x1e: {  	s7 =	smul.u32 @!p0 $0xF7A, s2;
	p2 =	seq.s32 @!p0 s5, $0x0  }
0x1f: {  	s9 =	smul.u32 $0xF7A, s1;
	s8 =	simm.s32 @!p0 $0x1BF5;
	p2 =	por !p2, p0  }
0x20: {  	[sflag:s8] =	ssyncset.s32 @!p0 $0xFFFFF086;
	s6 =	sadd.s32 @!p0 s3, s7;
	s7 =	simm.s32 @!p0 $0x108  }
0x21: {  	s3 =	sadd.s32 s3, s9;
	s6 =	sadd.s32 @!p0 $0x88, s6;
	s7 =	simm.s32 @p2 $0x1082  }
0x22: {  	[simem:s7], [sflag:s8] =	dma.local @!p0 [hbm:s6], $0xF7A  }
0x23: {  	s9 =	sor.u32 $0xD0000000, s2;
	s6 =	simm.s32 $0x108;
	_ =	swait.ge @!p0 [sflag:s8], $0x0  }
0x24: {  	s3 =	sadd.s32 $0x88, s3;
	s6 =	simm.s32 @!p1 $0x1082;
	[sflag:s4] =	ssyncset.s32 $0xFFFFF086  }
0x25: {  	[simem:s6], [sflag:s4] =	dma.local [hbm:s3], $0xF7A  }
0x26: {  	[smem:$0x3F9B] =	sst s1;
	(tag) =	ssettag s2;
	_ =	strace s9  }
0x27: {  	s1 =	sld [smem:$0x3FAB]  }
0x28: {  	s2 =	sld [smem:$0x3FAC]  }
0x29: {  	s4 =	sld [smem:$0x3FAE]  }
0x2a: {  	p0 =	seq.s32 s5, $0x0;
	s5 =	sld [smem:$0x3FAF]  }
0x2b: {  	s6 =	sld [smem:$0x3FB0]  }
0x2c: {  	s7 =	sld [smem:$0x3FB1]  }
0x2d: {  	s3 =	simm.s32 $0x108;
	s8 =	sld [smem:$0x3FB2]  }
0x2e: {  	s3 =	simm.s32 @!p0 $0x1082;
	s9 =	sld [smem:$0x3FB3]  }
0x2f: {  	lr =	sadd.s32 s0, s3;
	s0 =	sld [smem:$0x3FAA]  }
0x30: {  	s3 =	sld [smem:$0x3FAD]  }
0x31: {  	[smem:$0x3FB6] =	sst s10  }
0x32: {  	s10 =	sld [smem:$0x3FB4];
	_ =	sdelay $0x3  }
0x33: {  	p0 =	seq.s32 s10, $0x1;
	s10 =	sld [smem:$0x3FB6];
	_ =	sdelay $0x3  }
0x34: {  	[smem:$0x3FB6] =	sst s10  }
0x35: {  	s10 =	sld [smem:$0x3FB5];
	_ =	sdelay $0x3  }
0x36: {  	p1 =	seq.s32 s10, $0x1;
	s10 =	sld [smem:$0x3FB6];
	_ =	sdelay $0x3  }
0x37: {  	[smem:$0x3FB6] =	sst s10  }
0x38: {  	s10 =	sld [smem:$0x3FB7]  }
0x39: {  	_ = 	snop;
	(pc) =	sbr.ind lr, $3  }
0x3a: {  	_ = 	snop  }
0x3b: {  	_ = 	snop  }
0x3c: {  	p2 =	seq.s32 s10, $0x1;
	s10 =	sld [smem:$0x3FB6]  }
0x3d: {  	_ =	shalt  }
0x3e: {  	_ =	shalt  }
0x3f: {  	_ =	shalt  }
0x40: {  	_ =	shalt  }
0x41: {  	_ =	shalt  }
0x42: {  	_ =	shalt  }
0x43: {  	_ =	shalt  }
0x44: {  	_ =	shalt  }
0x45: {  	_ =	shalt  }
0x46: {  	_ =	shalt  }
0x47: {  	_ =	shalt  }
0x48: {  	_ =	shalt  }
0x49: {  	_ =	shalt  }
0x4a: {  	_ =	shalt  }
0x4b: {  	_ =	shalt  }
0x4c: {  	_ =	shalt  }
0x4d: {  	_ =	shalt  }
0x4e: {  	_ =	shalt  }
0x4f: {  	_ =	shalt  }
0x50: {  	_ =	shalt  }
0x51: {  	_ =	shalt  }
0x52: {  	_ =	shalt  }
0x53: {  	_ =	shalt  }
0x54: {  	_ =	shalt  }
0x55: {  	_ =	shalt  }
0x56: {  	_ =	shalt  }
0x57: {  	_ =	shalt  }
0x58: {  	_ =	shalt  }
0x59: {  	_ =	shalt  }
0x5a: {  	_ =	shalt  }
0x5b: {  	_ =	shalt  }
0x5c: {  	_ =	shalt  }
0x5d: {  	_ =	shalt  }
0x5e: {  	_ =	shalt  }
0x5f: {  	_ =	shalt  }
0x60: {  	_ =	shalt  }
0x61: {  	_ =	shalt  }
0x62: {  	_ =	shalt  }
0x63: {  	_ =	shalt  }
0x64: {  	_ =	shalt  }
0x65: {  	_ =	shalt  }
0x66: {  	_ =	shalt  }
0x67: {  	_ =	shalt  }
0x68: {  	_ =	shalt  }
0x69: {  	_ =	shalt  }
0x6a: {  	_ =	shalt  }
0x6b: {  	_ =	shalt  }
0x6c: {  	_ =	shalt  }
0x6d: {  	_ =	shalt  }
0x6e: {  	_ =	shalt  }
0x6f: {  	_ =	shalt  }
0x70: {  	_ =	shalt  }
0x71: {  	_ =	shalt  }
0x72: {  	_ =	shalt  }
0x73: {  	_ =	shalt  }
0x74: {  	_ =	shalt  }
0x75: {  	_ =	shalt  }
0x76: {  	_ =	shalt  }
0x77: {  	_ =	shalt  }
0x78: {  	_ =	shalt  }
0x79: {  	_ =	shalt  }
0x7a: {  	_ =	shalt  }
0x7b: {  	_ =	shalt  }
0x7c: {  	_ =	shalt  }
0x7d: {  	_ =	shalt  }
0x7e: {  	_ =	shalt  }
0x7f: {  	_ =	shalt  }
0x80: {  	_ =	shalt  }
0x81: {  	_ =	shalt  }
0x82: {  	_ =	shalt  }
0x83: {  	_ =	shalt  }
0x84: {  	_ =	shalt  }
0x85: {  	_ =	shalt  }
0x86: {  	_ =	shalt  }
0x87: {  	_ =	shalt  }
.Lfunc_end0:
.L_simem_size_0:
called_computation_lowered:
.L_overlay_start_0:
0x88: {  	s2 =	sld [smem:$0x3FD9]  }
0x89: {  	s3 =	sld [smem:$0x3FFE];
	_ =	sdelay $0x1  }
0x8a: {  	s1 =	srdreg.scid  }
0x8b: {  	s0 =	sand.u32 $0x1, s1  }
0x8c: {  	s17 =	sshll.u32 s0, $0xA;
	s2 =	sadd.s32 s3, s2  }
0x8d: {  	s2 =	sadd.s32 s2, s17  }
0x8e: {  	[smem:$0x3FC2] =	sst s2  }
0x8f: {  	_ = 	snop  }
0x90: {  	s2 =	sld [smem:$0x3FC8]  }
0x91: {  	s18 =	sld [smem:$0x3FD0];
	(tm) =	ssettm $0x1  }
0x92: {  	s4 =	sld [smem:$0x3FFB];
	_ =	sdelay $0x3  }
0x93: {  	_ =	strace s4  }
0x94: {  	s4 =	sld [smem:$0x3FFC];
	_ =	sdelay $0x3  }
0x95: {  	_ =	strace s4  }
0x96: {  	s4 =	sld [smem:$0x3FFD];
	_ =	sdelay $0x3  }
0x97: {  	_ =	strace s4  }
0x98: {  	_ =	strace $0x8FFFFFFF  }
0x99: {  	s19 =	sld [smem:$0x3FDB];
	_ =	sdelay $0x1  }
0x9a: {  	s5 =	simm.s32 $_scs_section_size  }
0x9b: {  	s6 =	simm.s32 $_size__tile_overlayer_lowered;
	s7 =	simm.s32 $_tile_overlayer_lowered  }
0x9c: {  	s22 =	simm.s32 $0x1BFF;
	s21 =	sshll.u32 s7, $0x1;
	s4 =	sadd.s32 s5, s19  }
0x9d: {  	s8 =	simm.s32 $0x0;
	s20 =	sshll.u32 s6, $0x1;
	s6 =	sadd.s32 s21, s4  }
0x9e: {  	[timem:s8], [sflag:s22] =	dma.local [hbm:s6], s20  }
0x9f: {  	_ =	swait.ge [sflag:s22], s20  }
0xa0: {  	s5 =	ssub.s32 $0x0, s20;
	[sflag:s22] =	ssyncset.done $0x0  }
0xa1: {  	[sflag:s22] =	ssyncadd.s32 s5;
	_ =	sdelay $0x1  }
0xa2: {  	s23 =	simm.s32 $0x1B8B  }
0xa3: {  	_ =	swait.ge [sflag:s23], $0x1  }
0xa4: {  	[sflag:s23] =	ssyncset.done $0x0  }
0xa5: {  	s25 =	simm.s32 $0x1B8E;
	s24 =	sld [smem:$0x3FFE];
	[sflag:s23] =	ssyncadd.s32 $0xFFFFFFFF  }
0xa6: {  	s26 =	simm.s32 $execute0_lowered;
	[smem:$0x3FD2] =	sst s25  }
0xa7: {  	s6 =	sshll.u32 s26, $0x1;
	_ =	strace $0x80000046;
	[dreg:$0x1] =	wrdreg $0xFFFFFFFF  }
0xa8: {  	s28 =	simm.s32 $_size_execute0_lowered;
	s4 =	sadd.s32 s4, s6;
	[dreg:$0x0] =	wrdreg $0x0  }
0xa9: {  	s6 =	sshll.u32 s28, $0x1;
	[dreg:$0x2] =	wrdreg s4  }
0xaa: {  	[dreg:$0x3] =	wrdreg s6  }
0xab: {  	[dreg:$0x4] =	wrdreg $0xC0  }
0xac: {  	_ =	task [dreg:s8], $0x5FFFF  }
0xad: {  	[dreg:$0x1] =	wrdreg $0xFFFFFFFF  }
0xae: {  	[dreg:$0x0] =	wrdreg $0x60  }
0xaf: {  	[dreg:$0x2] =	wrdreg s2  }
0xb0: {  	[dreg:$0x3] =	wrdreg s24  }
0xb1: {  	[dreg:$0x4] =	wrdreg s18  }
0xb2: {  	[dreg:$0x5] =	wrdreg $0x9  }
0xb3: {  	_ =	task.clear_ibuf [dreg:s8], $0x6FFFF;
	_ =	strace $0x90000046  }
0xb4: {  	s29 =	simm.s32 $0x9;
	_ =	strace $0x80000048  }
0xb5: {  	_ =	swait.ge [sflag:s29], $0x1  }
0xb6: {  	[sflag:s29] =	ssyncadd.s32 $0xFFFFFFFF  }
0xb7: {  	_ =	strace $0x90000048  }
0xb8: {  	_ =	sfence  }
0xb9: {  	s30 =	sld [smem:$0x0];
	_ =	sdelay $0x2  }
0xba: {  	s31 =	sshll.u32 s1, $0xD;
	s1 =	sshrl.u32 s1, $0x2  }
0xbb: {  	s3 =	sand.u32 $0x4000, s31;
	s1 =	sadd.s32 s1, s30  }
0xbc: {  	s0 =	sor.u32 s3, s0;
	s1 =	sshll.u32 s1, $0x11  }
0xbd: {  	s0 =	sor.u32 s1, s0  }
0xbe: {  	s0 =	sadd.s32 $0x8F2B, s0  }
0xbf: {  	[sflag:s0] =	ssyncadd.remote.s32 $0x1  }
0xc0: {  	_ =	sfence.sel $0xFFFF  }
0xc1: {  	[dreg:$0x0] =	wrdreg $0xFFFFFFFF;
	(pc) =	sbr.abs _section_cstart, $3  }
0xc2: {  	[dreg:$0x1] =	wrdreg $0xFFFFFFFF  }
0xc3: {  	_ =	task.clear_ibuf [dreg:s8], $0x2FFFF;
	_ =	strace $0x9FFFFFFF  }
0xc4: {  	(tm) =	ssettm $0x7FFFFFFF  }
0xc5: {  	_ =	shalt  }
tec
execute0_lowered:
.L_overlay_start_1:
0x0: {  	(tag) =	ssettag $0x1  }
0x1: {  	s1 =	rddreg [dreg:$0x0]  }
0x2: {  	s2 =	srdreg.scid;
	s4 =	rddreg [dreg:$0x1]  }
0x3: {  	s0 =	stileid.u32;
	s6 =	rddreg [dreg:$0x2]  }
0x4: {  	s18 =	simm.s32 $0x880;
	s19 =	simm.s32 $0x1080;
	s20 =	simm.s32 $0x1880  }
0x5: {  	s21 =	simm.s32 $0x2080;
	s23 =	simm.s32 $0x2880;
	s24 =	simm.s32 $0x3080  }
0x6: {  	s25 =	simm.s32 $0x3880;
	s26 =	simm.s32 $0x4080;
	s9 =	simm.s32 $0x5080  }
0x7: {  	s10 =	simm.s32 $0x5880;
	s11 =	simm.s32 $0x6080;
	s12 =	simm.s32 $0x6880  }
0x8: {  	s13 =	simm.s32 $0x7080;
	s14 =	simm.s32 $0x7880;
	s2 =	sand.u32 $0x1, s2  }
0x9: {  	s15 =	simm.s32 $0x8080;
	s3 =	sshll.u32 s0, $0x8;
	s5 =	sshll.u32 s2, $0x7  }
0xa: {  	s16 =	simm.s32 $0x8880;
	s5 =	sor.u32 s5, s3;
	s3 =	simm.s32 $0x0  }
0xb: {  	s28 =	simm.s32 $0xE080;
	s29 =	simm.s32 $0xE880;
	[smem:$0x7FF] =	sst s3  }
0xc: {  	s30 =	simm.s32 $0xF080;
	_ =	strace $0x80000047;
	[dreg:$0x6] =	wrdreg s18  }
0xd: {  	s31 =	simm.s32 $0xF880;
	s2 =	ssub.s32 $0x2, s2;
	[dreg:$0x7] =	wrdreg s19  }
0xe: {  	s22 =	sshrl.u32 s2, $0x1;
	s7 =	sshrl.u32 s5, $0x3;
	[dreg:$0x8] =	wrdreg s20  }
0xf: {  	s5 =	sshll.u32 s5, $0x6;
	s2 =	ssub.s32 s2, s22;
	[dreg:$0x9] =	wrdreg s21  }
0x10: {  	s22 =	simm.s32 $0xB880;
	s4 =	sadd.s32 s7, s4;
	[dreg:$0xa] =	wrdreg s23  }
0x11: {  	s17 =	sadd.s32 s6, s5;
	[dreg:$0xb] =	wrdreg s24;
	s5 =	smax.u32 s2, $0x1  }
0x12: {  	[dreg:$0xc] =	wrdreg s25;
	s6 =	simm.s32 $0x2;
	s7 =	simm.s32 $0x80  }
0x13: {  	[dreg:$0xd] =	wrdreg s26;
	s18 =	simm.s32 $0x9880;
	s19 =	simm.s32 $0xA080  }
0x14: {  	s20 =	simm.s32 $0xA880;
	s21 =	simm.s32 $0xB080;
	s23 =	simm.s32 $0xC080  }
0x15: {  	v2 =	vlaneseq.u32;
	s24 =	simm.s32 $0xC880;
	s25 =	simm.s32 $0xD080;
	s26 =	simm.s32 $0xD880  }
0x16: {  	vm0 =	vmmov $0xffff;
	v1 =	vshrl.u32 v2, $0x3;
	s2 =	simm.s32 $0x1;
	s4 =	sadd.s32 $0x1200, s4;
	[dreg:$0x5] =	wrdreg s17  }
0x17: {  	v0 =	vand.u32 $0x7, v2;
	v2 =	vor.u32 $0x8, v2;
	v1 =	vmul.u32 $0x8, v1;
	s17 =	simm.s32 $0x9080;
	[dreg:$0x4] =	wrdreg s4;
	s4 =	sadd.s32 $0x100, s1  }
.LBB2_1:
0x18: {  	s0 =	rddreg [dreg:$0x4]  }
0x19: {  	[tilespmem:s3], [sflag:$0x2] =	stream.linear.gather [hbm4b:s0+s3], $0x80, $0x38;
	[tilespmem:$0x10080] =	vst v63  }
0x1a: {  	_ =	swait.ge [sflag:s6], $0x80  }
0x1b: {  	[sflag:s6] =	ssyncset.done $0x0  }
0x1c: {  	[sflag:s6] =	ssyncadd.s32 $0xFFFFFF80  }
0x1d: {  	v3 =	vld [tilespmem:$0x0];
	_ =	sdelay $0x4  }
0x1e: {  	v4 =	vshll.u32 v3, $0x2  }
0x1f: {  	v3 =	vand.u32 $0x7, v3;
	v4 =	vand.u32 $0xFFFFFFE0, v4  }
0x20: {  	v3 =	vor.u32 v3, v4  }
0x21: {  	v4 =	vperm.xlane v3, v0;
	_ =	sdelay $0x1  }
0x22: {  	v4 =	vadd.s32 v1, v4;
	_ =	sdelay $0x1  }
0x23: {  	v3 =	vperm.xlane v3, v2;
	_ =	sdelay $0x1  }
0x24: {  	v3 =	vadd.s32 v1, v3  }
0x25: {  	[tilespmem:s7], [sflag:$0x1] =	stream.indirect_vreg.gather [hbm4b:s1+s3], $0x80, v4, vm0, $0xb8;
	[tilespmem:$0x10080] =	vst v63  }
0x26: {  	s0 =	rddreg [dreg:$0x6]  }
0x27: {  	[tilespmem:s0], [sflag:$0x1] =	stream.indirect_vreg.gather [hbm4b:s4+s3], $0x80, v4, vm0, $0xb8;
	[tilespmem:$0x10080] =	vst v63  }
0x28: {  	s8 =	rddreg [dreg:$0x7]  }
0x29: {  	[tilespmem:s8], [sflag:$0x1] =	stream.indirect_vreg.gather [hbm4b:s1+s3], $0x80, v3, vm0, $0xb8;
	[tilespmem:$0x10080] =	vst v63  }
0x2a: {  	s0 =	rddreg [dreg:$0x8]  }
0x2b: {  	[tilespmem:s0], [sflag:$0x1] =	stream.indirect_vreg.gather [hbm4b:s4+s3], $0x80, v3, vm0, $0xb8;
	[tilespmem:$0x10080] =	vst v63  }
0x2c: {  	v3 =	vld [tilespmem:$0x10];
	_ =	sdelay $0x4  }
0x2d: {  	v57 =	vshll.u32 v3, $0x2  }
0x2e: {  	v3 =	vand.u32 $0x7, v3;
	v4 =	vand.u32 $0xFFFFFFE0, v57  }
0x2f: {  	v3 =	vor.u32 v3, v4  }
0x30: {  	v4 =	vperm.xlane v3, v0;
	_ =	sdelay $0x1  }
0x31: {  	v4 =	vadd.s32 v1, v4;
	_ =	sdelay $0x1  }
0x32: {  	v3 =	vperm.xlane v3, v2;
	_ =	sdelay $0x1  }
0x33: {  	s0 =	rddreg [dreg:$0x9];
	v3 =	vadd.s32 v1, v3  }
0x34: {  	[tilespmem:s0], [sflag:$0x1] =	stream.indirect_vreg.gather [hbm4b:s1+s3], $0x80, v4, vm0, $0xb8;
	[tilespmem:$0x10080] =	vst v63  }
0x35: {  	s8 =	rddreg [dreg:$0xa]  }
0x36: {  	[tilespmem:s8], [sflag:$0x1] =	stream.indirect_vreg.gather [hbm4b:s4+s3], $0x80, v4, vm0, $0xb8;
	[tilespmem:$0x10080] =	vst v63  }
0x37: {  	s0 =	rddreg [dreg:$0xb]  }
0x38: {  	[tilespmem:s0], [sflag:$0x1] =	stream.indirect_vreg.gather [hbm4b:s1+s3], $0x80, v3, vm0, $0xb8;
	[tilespmem:$0x10080] =	vst v63  }
0x39: {  	s8 =	rddreg [dreg:$0xc]  }
0x3a: {  	[tilespmem:s8], [sflag:$0x1] =	stream.indirect_vreg.gather [hbm4b:s4+s3], $0x80, v3, vm0, $0xb8;
	[tilespmem:$0x10080] =	vst v63  }
0x3b: {  	v3 =	vld [tilespmem:$0x20];
	_ =	sdelay $0x4  }
0x3c: {  	v58 =	vshll.u32 v3, $0x2  }
0x3d: {  	v3 =	vand.u32 $0x7, v3;
	v4 =	vand.u32 $0xFFFFFFE0, v58  }
0x3e: {  	v3 =	vor.u32 v3, v4  }
0x3f: {  	v4 =	vperm.xlane v3, v0;
	_ =	sdelay $0x1  }
0x40: {  	v4 =	vadd.s32 v1, v4;
	_ =	sdelay $0x1  }
0x41: {  	v3 =	vperm.xlane v3, v2;
	_ =	sdelay $0x1  }
0x42: {  	s8 =	rddreg [dreg:$0xd];
	v3 =	vadd.s32 v1, v3  }
0x43: {  	[tilespmem:s8], [sflag:$0x1] =	stream.indirect_vreg.gather [hbm4b:s1+s3], $0x80, v4, vm0, $0xb8;
	[tilespmem:$0x10080] =	vst v63  }
0x44: {  	s8 =	simm.s32 $0x4880  }
0x45: {  	[tilespmem:s8], [sflag:$0x1] =	stream.indirect_vreg.gather [hbm4b:s4+s3], $0x80, v4, vm0, $0xb8;
	[tilespmem:$0x10080] =	vst v63  }
0x46: {  	_ = 	snop  }
0x47: {  	[tilespmem:s9], [sflag:$0x1] =	stream.indirect_vreg.gather [hbm4b:s1+s3], $0x80, v3, vm0, $0xb8;
	[tilespmem:$0x10080] =	vst v63  }
0x48: {  	_ = 	snop  }
0x49: {  	[tilespmem:s10], [sflag:$0x1] =	stream.indirect_vreg.gather [hbm4b:s4+s3], $0x80, v3, vm0, $0xb8;
	[tilespmem:$0x10080] =	vst v63  }
0x4a: {  	v3 =	vld [tilespmem:$0x30];
	_ =	sdelay $0x4  }
0x4b: {  	v59 =	vshll.u32 v3, $0x2  }
0x4c: {  	v3 =	vand.u32 $0x7, v3;
	v4 =	vand.u32 $0xFFFFFFE0, v59  }
0x4d: {  	v3 =	vor.u32 v3, v4  }
0x4e: {  	v4 =	vperm.xlane v3, v0;
	_ =	sdelay $0x1  }
0x4f: {  	v4 =	vadd.s32 v1, v4;
	_ =	sdelay $0x1  }
0x50: {  	v3 =	vperm.xlane v3, v2;
	_ =	sdelay $0x1  }
0x51: {  	v3 =	vadd.s32 v1, v3  }
0x52: {  	[tilespmem:s11], [sflag:$0x1] =	stream.indirect_vreg.gather [hbm4b:s1+s3], $0x80, v4, vm0, $0xb8;
	[tilespmem:$0x10080] =	vst v63  }
0x53: {  	_ = 	snop  }
0x54: {  	[tilespmem:s12], [sflag:$0x1] =	stream.indirect_vreg.gather [hbm4b:s4+s3], $0x80, v4, vm0, $0xb8;
	[tilespmem:$0x10080] =	vst v63  }
0x55: {  	_ = 	snop  }
0x56: {  	[tilespmem:s13], [sflag:$0x1] =	stream.indirect_vreg.gather [hbm4b:s1+s3], $0x80, v3, vm0, $0xb8;
	[tilespmem:$0x10080] =	vst v63  }
0x57: {  	_ = 	snop  }
0x58: {  	[tilespmem:s14], [sflag:$0x1] =	stream.indirect_vreg.gather [hbm4b:s4+s3], $0x80, v3, vm0, $0xb8;
	[tilespmem:$0x10080] =	vst v63  }
0x59: {  	v3 =	vld [tilespmem:$0x40];
	_ =	sdelay $0x4  }
0x5a: {  	v60 =	vshll.u32 v3, $0x2  }
0x5b: {  	v3 =	vand.u32 $0x7, v3;
	v4 =	vand.u32 $0xFFFFFFE0, v60  }
0x5c: {  	v3 =	vor.u32 v3, v4  }
0x5d: {  	v4 =	vperm.xlane v3, v0;
	_ =	sdelay $0x1  }
0x5e: {  	v4 =	vadd.s32 v1, v4;
	_ =	sdelay $0x1  }
0x5f: {  	v3 =	vperm.xlane v3, v2;
	_ =	sdelay $0x1  }
0x60: {  	v3 =	vadd.s32 v1, v3  }
0x61: {  	[tilespmem:s15], [sflag:$0x1] =	stream.indirect_vreg.gather [hbm4b:s1+s3], $0x80, v4, vm0, $0xb8;
	[tilespmem:$0x10080] =	vst v63  }
0x62: {  	_ = 	snop  }
0x63: {  	[tilespmem:s16], [sflag:$0x1] =	stream.indirect_vreg.gather [hbm4b:s4+s3], $0x80, v4, vm0, $0xb8;
	[tilespmem:$0x10080] =	vst v63  }
0x64: {  	_ = 	snop  }
0x65: {  	[tilespmem:s17], [sflag:$0x1] =	stream.indirect_vreg.gather [hbm4b:s1+s3], $0x80, v3, vm0, $0xb8;
	[tilespmem:$0x10080] =	vst v63  }
0x66: {  	_ = 	snop  }
0x67: {  	[tilespmem:s18], [sflag:$0x1] =	stream.indirect_vreg.gather [hbm4b:s4+s3], $0x80, v3, vm0, $0xb8;
	[tilespmem:$0x10080] =	vst v63  }
0x68: {  	v3 =	vld [tilespmem:$0x50];
	_ =	sdelay $0x4  }
0x69: {  	v61 =	vshll.u32 v3, $0x2  }
0x6a: {  	v3 =	vand.u32 $0x7, v3;
	v4 =	vand.u32 $0xFFFFFFE0, v61  }
0x6b: {  	v3 =	vor.u32 v3, v4  }
0x6c: {  	v4 =	vperm.xlane v3, v0;
	_ =	sdelay $0x1  }
0x6d: {  	v4 =	vadd.s32 v1, v4;
	_ =	sdelay $0x1  }
0x6e: {  	v3 =	vperm.xlane v3, v2;
	_ =	sdelay $0x1  }
0x6f: {  	v3 =	vadd.s32 v1, v3  }
0x70: {  	[tilespmem:s19], [sflag:$0x1] =	stream.indirect_vreg.gather [hbm4b:s1+s3], $0x80, v4, vm0, $0xb8;
	[tilespmem:$0x10080] =	vst v63  }
0x71: {  	_ = 	snop  }
0x72: {  	[tilespmem:s20], [sflag:$0x1] =	stream.indirect_vreg.gather [hbm4b:s4+s3], $0x80, v4, vm0, $0xb8;
	[tilespmem:$0x10080] =	vst v63  }
0x73: {  	_ = 	snop  }
0x74: {  	[tilespmem:s21], [sflag:$0x1] =	stream.indirect_vreg.gather [hbm4b:s1+s3], $0x80, v3, vm0, $0xb8;
	[tilespmem:$0x10080] =	vst v63  }
0x75: {  	_ = 	snop  }
0x76: {  	[tilespmem:s22], [sflag:$0x1] =	stream.indirect_vreg.gather [hbm4b:s4+s3], $0x80, v3, vm0, $0xb8;
	[tilespmem:$0x10080] =	vst v63  }
0x77: {  	v3 =	vld [tilespmem:$0x60];
	_ =	sdelay $0x4  }
0x78: {  	v62 =	vshll.u32 v3, $0x2  }
0x79: {  	v3 =	vand.u32 $0x7, v3;
	v4 =	vand.u32 $0xFFFFFFE0, v62  }
0x7a: {  	v3 =	vor.u32 v3, v4  }
0x7b: {  	v4 =	vperm.xlane v3, v0;
	_ =	sdelay $0x1  }
0x7c: {  	v4 =	vadd.s32 v1, v4;
	_ =	sdelay $0x1  }
0x7d: {  	v3 =	vperm.xlane v3, v2;
	_ =	sdelay $0x1  }
0x7e: {  	v3 =	vadd.s32 v1, v3  }
0x7f: {  	[tilespmem:s23], [sflag:$0x1] =	stream.indirect_vreg.gather [hbm4b:s1+s3], $0x80, v4, vm0, $0xb8;
	[tilespmem:$0x10080] =	vst v63  }
0x80: {  	_ = 	snop  }
0x81: {  	[tilespmem:s24], [sflag:$0x1] =	stream.indirect_vreg.gather [hbm4b:s4+s3], $0x80, v4, vm0, $0xb8;
	[tilespmem:$0x10080] =	vst v63  }
0x82: {  	_ = 	snop  }
0x83: {  	[tilespmem:s25], [sflag:$0x1] =	stream.indirect_vreg.gather [hbm4b:s1+s3], $0x80, v3, vm0, $0xb8;
	[tilespmem:$0x10080] =	vst v63  }
0x84: {  	_ = 	snop  }
0x85: {  	[tilespmem:s26], [sflag:$0x1] =	stream.indirect_vreg.gather [hbm4b:s4+s3], $0x80, v3, vm0, $0xb8;
	[tilespmem:$0x10080] =	vst v63  }
0x86: {  	v3 =	vld [tilespmem:$0x70];
	_ =	sdelay $0x4  }
0x87: {  	v63 =	vshll.u32 v3, $0x2  }
0x88: {  	v3 =	vand.u32 $0x7, v3;
	v4 =	vand.u32 $0xFFFFFFE0, v63  }
0x89: {  	v3 =	vor.u32 v3, v4  }
0x8a: {  	v4 =	vperm.xlane v3, v0;
	_ =	sdelay $0x1  }
0x8b: {  	v4 =	vadd.s32 v1, v4;
	_ =	sdelay $0x1  }
0x8c: {  	v3 =	vperm.xlane v3, v2;
	_ =	sdelay $0x1  }
0x8d: {  	v3 =	vadd.s32 v1, v3  }
0x8e: {  	[tilespmem:s28], [sflag:$0x1] =	stream.indirect_vreg.gather [hbm4b:s1+s3], $0x80, v4, vm0, $0xb8;
	[tilespmem:$0x10080] =	vst v63  }
0x8f: {  	_ = 	snop  }
0x90: {  	[tilespmem:s29], [sflag:$0x1] =	stream.indirect_vreg.gather [hbm4b:s4+s3], $0x80, v4, vm0, $0xb8;
	[tilespmem:$0x10080] =	vst v63  }
0x91: {  	_ = 	snop  }
0x92: {  	[tilespmem:s30], [sflag:$0x1] =	stream.indirect_vreg.gather [hbm4b:s1+s3], $0x80, v3, vm0, $0xb8;
	[tilespmem:$0x10080] =	vst v63  }
0x93: {  	_ = 	snop  }
0x94: {  	[tilespmem:s31], [sflag:$0x1] =	stream.indirect_vreg.gather [hbm4b:s4+s3], $0x80, v3, vm0, $0xb8;
	[tilespmem:$0x10080] =	vst v63  }
0x95: {  	_ =	swait.ge [sflag:s2], $0x10000  }
0x96: {  	p0 =	sne.s32 s5, $0x1;
	[sflag:s2] =	ssyncset.done $0x0  }
.Ltmp0:
0x97: {  	s8 =	rddreg [dreg:$0x5];
	[sflag:s2] =	ssyncadd.s32 $0xFFFF0000;
	(pc) =	sbr.rel @p0 .LBB2_1-.Ltmp0, $4  }
0x98: {  	[hbm4b:s8+s3] =	stream.linear.scatter [tilespmem:s7], [sflag:$0x2], $0x10000, $0x38;
	[tilespmem:$0x10080] =	vst v63  }
0x99: {  	_ =	swait.ge [sflag:s6], $0x10000  }
0x9a: {  	[sflag:s6] =	ssyncset.done $0x0  }
0x9b: {  	s5 =	sadd.s32 $0xFFFFFFFF, s5;
	[sflag:s6] =	ssyncadd.s32 $0xFFFF0000  }
0x9c: {  	_ =	sfence.sel $0x180000  }
0x9d: {  	[bflag:$0x0] =	sbarrier.arrive $0xFFFF  }
0x9e: {  	_ =	strace $0x90000047  }
0x9f: {  	s0 =	stileid.u32;
	[bflag:$0x2] =	sbarrier.arrive $0xFFFF  }
0xa0: {  	p0 =	sne.s32 s0, $0x0;
	s0 =	rddreg [dreg:$0x3]  }
0xa1: {  	s0 =	sadd.s32 @!p0 $0x100000, s0  }
0xa2: {  	[sflag:s0] =	ssyncadd.tile.s32 @!p0 $0x1;
	_ =	shalt  }
.Lfunc_end2:
_tile_overlayer_lowered:
.L_overlay_start_2:
0xa3: {  	(tag) =	ssettag $0x2  }
0xa4: {  	s0 =	rddreg [dreg:$0x0];
	s2 =	stileid.u32  }
0xa5: {  	s1 =	rddreg [dreg:$0x1];
	p0 =	sne.s32 s2, $0x0  }
0xa6: {  	s3 =	rddreg [dreg:$0x2];
	[bflag:$0x3] =	sbarrier.arrive $0xFFFF;
	s2 =	simm.s32 @!p0 $0x1C02  }
0xa7: {  	[timem:s3], [sflag:s2] =	dma.local @!p0 [hbm:s0], s1  }
0xa8: {  	s0 =	simm.s32 @!p0 $0x2  }
0xa9: {  	_ =	swait.ge @!p0 [sflag:s0], s1  }
0xaa: {  	s1 =	ssub.s32 @!p0 $0x0, s1;
	[sflag:s0] =	ssyncset.done @!p0 $0x0  }
0xab: {  	[sflag:s0] =	ssyncadd.s32 @!p0 s1  }
0xac: {  	[bflag:$0x3] =	sbarrier.arrive $0xFFFF  }
0xad: {  	_ =	shalt  }

</sc_bundles>
